<compile_context>
chip_gen: v7x
topology: tpu7x:2x2x1
jax: 0.10.2.dev20260603
libtpu: 0.0.44.dev20260713+nightly
codegen_flags: <defaults>
</compile_context>

<pallas_src>
import functools

import jax
import jax.numpy as jnp
from jax import lax
from jax.experimental import pallas as pl
from jax.experimental.pallas import tpu as pltpu
from jax.experimental.pallas import tpu_sc as plsc

_B, _N, _CIN = 8, 4096, 64
_S, _K = 1024, 32
_EPS = 1e-5
_M = float(_B * _S * _K)


def _fps_body(xyz_ref, nxyz_ref):
    x = xyz_ref[:, 0, :]
    y = xyz_ref[:, 1, :]
    z = xyz_ref[:, 2, :]
    iota_n = lax.broadcasted_iota(jnp.int32, (_B, _N), 1)
    iota_s = lax.broadcasted_iota(jnp.int32, (_B, _S), 1)

    def step(i, carry):
        dist, far = carry
        sel = iota_n == far
        cx = jnp.sum(jnp.where(sel, x, 0.0), axis=1, keepdims=True)
        cy = jnp.sum(jnp.where(sel, y, 0.0), axis=1, keepdims=True)
        cz = jnp.sum(jnp.where(sel, z, 0.0), axis=1, keepdims=True)
        here = iota_s == i
        nxyz_ref[:, 0, :] = jnp.where(here, cx, nxyz_ref[:, 0, :])
        nxyz_ref[:, 1, :] = jnp.where(here, cy, nxyz_ref[:, 1, :])
        nxyz_ref[:, 2, :] = jnp.where(here, cz, nxyz_ref[:, 2, :])
        dx = x - cx
        dy = y - cy
        dz = z - cz
        d = (dx * dx + dy * dy) + dz * dz
        dist = jnp.minimum(dist, d)
        maxv = jnp.max(dist, axis=1, keepdims=True)
        far = jnp.min(jnp.where(dist == maxv, iota_n, _N), axis=1, keepdims=True)
        return dist, far.astype(jnp.int32)

    init = (
        jnp.full((_B, _N), 1e10, jnp.float32),
        jnp.zeros((_B, 1), jnp.int32),
    )
    lax.fori_loop(0, _S, step, init)


def _fps(xyz):
    return pl.pallas_call(
        _fps_body,
        out_shape=jax.ShapeDtypeStruct((_B, 3, _S), jnp.float32),
    )(xyz)


_GW = 32
_NG = _N // _GW


def _knn_body(nx_ref, xyz_ref, idx_ref, gid_ref):
    b = pl.program_id(0)
    q3 = nx_ref[0]
    x3 = xyz_ref[0]
    qb = q3.shape[1]
    pn2 = jnp.sum(x3 * x3, axis=0, keepdims=True)
    qp = lax.dot_general(q3, x3, (((0,), (0,)), ((), ())),
                         preferred_element_type=jnp.float32)
    dist = pn2 - 2.0 * qp

    d3 = dist.reshape(qb, _NG, _GW)
    gmin = jnp.min(d3, axis=2)
    iota_g = lax.broadcasted_iota(jnp.int32, (qb, _NG), 1)
    iota_c = lax.broadcasted_iota(jnp.int32, (qb, _K), 1)

    def gstep(k, gm):
        m = jnp.min(gm, axis=1, keepdims=True)
        g = jnp.min(jnp.where(gm == m, iota_g, _NG), axis=1, keepdims=True)
        gid_ref[...] = jnp.where(iota_c == k, g, gid_ref[...])
        return jnp.where(iota_g == g, 1e30, gm)

    lax.fori_loop(0, _K, gstep, gmin)
    gid = gid_ref[...]

    onehot = (gid[:, :, None] == iota_g[:, None, :]).astype(jnp.float32)
    cand = lax.dot_general(onehot, d3, (((2,), (1,)), ((0,), (0,))),
                           preferred_element_type=jnp.float32)
    cand = cand.reshape(qb, _K * _GW)
    iota_l = lax.broadcasted_iota(jnp.int32, (qb, _K, _GW), 2)
    ncand = (gid[:, :, None] * _GW + iota_l).reshape(qb, _K * _GW)
    base = b * _N
    iota_k = lax.broadcasted_iota(jnp.int32, (qb, _K), 1)
    bigi = jnp.int32(1 << 30)

    def step(k, cv):
        m = jnp.min(cv, axis=1, keepdims=True)
        idx = jnp.min(jnp.where(cv == m, ncand, bigi), axis=1, keepdims=True)
        idx_ref[0] = jnp.where(iota_k == k, idx + base, idx_ref[0])
        return jnp.where(ncand == idx, 1e30, cv)

    lax.fori_loop(0, _K, step, cand)


def _knn(new_xyz, xyz):
    qblk = 128
    return pl.pallas_call(
        _knn_body,
        grid=(_B, _S // qblk),
        in_specs=[
            pl.BlockSpec((1, 3, qblk), lambda b, s: (b, 0, s)),
            pl.BlockSpec((1, 3, _N), lambda b, s: (b, 0, 0)),
        ],
        out_specs=pl.BlockSpec((1, qblk, _K), lambda b, s: (b, s, 0)),
        out_shape=jax.ShapeDtypeStruct((_B, _S, _K), jnp.int32),
        scratch_shapes=[pltpu.VMEM((qblk, _K), jnp.int32)],
    )(new_xyz, xyz)


def _proj_body(xyz_ref, pts_ref, w_ref, z_ref):
    w1x = w_ref[:, 0:3]
    w1p = w_ref[:, 3:]
    zx = lax.dot_general(xyz_ref[0], w1x, (((0,), (1,)), ((), ())),
                         preferred_element_type=jnp.float32)
    zp = lax.dot_general(pts_ref[0], w1p, (((0,), (1,)), ((), ())),
                         preferred_element_type=jnp.float32)
    z_ref[0] = zx + zp


def _project(xyz, points, w1):
    nblk = 512
    return pl.pallas_call(
        _proj_body,
        grid=(_B, _N // nblk),
        in_specs=[
            pl.BlockSpec((1, 3, nblk), lambda b, n: (b, 0, n)),
            pl.BlockSpec((1, _CIN, nblk), lambda b, n: (b, 0, n)),
            pl.BlockSpec((64, _CIN + 3), lambda b, n: (0, 0)),
        ],
        out_specs=pl.BlockSpec((1, nblk, 64), lambda b, n: (b, n, 0)),
        out_shape=jax.ShapeDtypeStruct((_B, _N, 64), jnp.float32),
    )(xyz, points, w1)


def _gather_sc(table, idx):
    rows = idx.shape[0]
    d = table.shape[1]
    info = plsc.get_sparse_core_info()
    nw = info.num_cores * info.num_subcores
    chunk = 128
    per_w = rows // nw
    nchunk = per_w // chunk

    mesh = plsc.VectorSubcoreMesh(core_axis_name="c", subcore_axis_name="s")

    @functools.partial(
        pl.kernel,
        mesh=mesh,
        compiler_params=pltpu.CompilerParams(use_tc_tiling_on_sc=False),
        out_type=jax.ShapeDtypeStruct((rows, d), jnp.float32),
        scratch_types=[
            pltpu.VMEM((chunk,), jnp.int32),
            pltpu.VMEM((chunk, d), jnp.float32),
            pltpu.SemaphoreType.DMA,
        ],
    )
    def k(table_hbm, idx_hbm, out_hbm, idx_v, rows_v, sem):
        wid = lax.axis_index("s") * info.num_cores + lax.axis_index("c")
        base = wid * per_w

        def body(j, _):
            off = base + j * chunk
            pltpu.sync_copy(idx_hbm.at[pl.ds(off, chunk)], idx_v)
            pltpu.async_copy(table_hbm.at[idx_v], rows_v, sem).wait()
            pltpu.sync_copy(rows_v, out_hbm.at[pl.ds(off, chunk)])
            return 0

        lax.fori_loop(0, nchunk, body, 0)

    return k(table, idx)


def _bn_coefs(s_ref, q_ref, g_ref, b_ref):
    mean = s_ref[...] / _M
    var = q_ref[...] / _M - mean * mean
    scale = g_ref[...] / jnp.sqrt(var + _EPS)
    shift = b_ref[...] - mean * scale
    return scale, shift


def _acc_stats(first, y, s_ref, q_ref, width):
    psum = jnp.sum(y, axis=0).reshape(1, width)
    pq = jnp.sum(y * y, axis=0).reshape(1, width)

    @pl.when(first)
    def _():
        s_ref[...] = jnp.zeros_like(s_ref)
        q_ref[...] = jnp.zeros_like(q_ref)

    s_ref[...] += psum
    q_ref[...] += pq


def _first(b, sb):
    return jnp.logical_and(b == 0, sb == 0)


def _stats1_body(zg_ref, nx_ref, w_ref, c1_ref, s_ref, q_ref):
    w1x = w_ref[:, 0:3]
    c1 = lax.dot_general(nx_ref[0], w1x, (((0,), (1,)), ((), ())),
                         preferred_element_type=jnp.float32)
    c1_ref[0] = c1
    sblk = c1.shape[0]
    zg = zg_ref[0].reshape(sblk, _K, 64)
    y1 = (zg - c1[:, None, :]).reshape(sblk * _K, 64)
    _acc_stats(_first(pl.program_id(0), pl.program_id(1)), y1, s_ref, q_ref, 64)


def _stats1(zg3, new_xyz, w1):
    sblk = 128
    return pl.pallas_call(
        _stats1_body,
        grid=(_B, _S // sblk),
        in_specs=[
            pl.BlockSpec((1, sblk * _K, 64), lambda b, s: (b, s, 0)),
            pl.BlockSpec((1, 3, sblk), lambda b, s: (b, 0, s)),
            pl.BlockSpec((64, _CIN + 3), lambda b, s: (0, 0)),
        ],
        out_specs=[
            pl.BlockSpec((1, sblk, 64), lambda b, s: (b, s, 0)),
            pl.BlockSpec((1, 64), lambda b, s: (0, 0)),
            pl.BlockSpec((1, 64), lambda b, s: (0, 0)),
        ],
        out_shape=[
            jax.ShapeDtypeStruct((_B, _S, 64), jnp.float32),
            jax.ShapeDtypeStruct((1, 64), jnp.float32),
            jax.ShapeDtypeStruct((1, 64), jnp.float32),
        ],
    )(zg3, new_xyz, w1)


def _y2_of(zg_ref, c1_ref, s1_ref, q1_ref, g1_ref, b1_ref, w2_ref):
    scale, shift = _bn_coefs(s1_ref, q1_ref, g1_ref, b1_ref)
    c1 = c1_ref[0]
    sblk = c1.shape[0]
    zg = zg_ref[0].reshape(sblk, _K, 64)
    y1 = zg - c1[:, None, :]
    y1n = jnp.maximum(y1 * scale.reshape(1, 1, 64) + shift.reshape(1, 1, 64), 0.0)
    return lax.dot_general(y1n.reshape(sblk * _K, 64), w2_ref[...],
                           (((1,), (1,)), ((), ())),
                           preferred_element_type=jnp.float32)


def _mlp_specs(sblk, extra):
    return [
        pl.BlockSpec((1, sblk * _K, 64), lambda b, s: (b, s, 0)),
        pl.BlockSpec((1, sblk, 64), lambda b, s: (b, s, 0)),
        pl.BlockSpec((1, 64), lambda b, s: (0, 0)),
        pl.BlockSpec((1, 64), lambda b, s: (0, 0)),
        pl.BlockSpec((1, 64), lambda b, s: (0, 0)),
        pl.BlockSpec((1, 64), lambda b, s: (0, 0)),
        pl.BlockSpec((128, 64), lambda b, s: (0, 0)),
    ] + extra


def _l2s_body(zg_ref, c1_ref, s1_ref, q1_ref, g1_ref, b1_ref, w2_ref,
              s2_ref, q2_ref):
    y2 = _y2_of(zg_ref, c1_ref, s1_ref, q1_ref, g1_ref, b1_ref, w2_ref)
    _acc_stats(_first(pl.program_id(0), pl.program_id(1)), y2, s2_ref, q2_ref, 128)


def _l2_stats(zg3, c1, s1, q1, g1, b1, w2):
    sblk = 32
    return pl.pallas_call(
        _l2s_body,
        grid=(_B, _S // sblk),
        in_specs=_mlp_specs(sblk, []),
        out_specs=[
            pl.BlockSpec((1, 128), lambda b, s: (0, 0)),
            pl.BlockSpec((1, 128), lambda b, s: (0, 0)),
        ],
        out_shape=[
            jax.ShapeDtypeStruct((1, 128), jnp.float32),
            jax.ShapeDtypeStruct((1, 128), jnp.float32),
        ],
    )(zg3, c1, s1, q1, g1, b1, w2)


def _l3s_body(zg_ref, c1_ref, s1_ref, q1_ref, g1_ref, b1_ref, w2_ref,
              s2_ref, q2_ref, g2_ref, b2_ref, w3_ref, s3_ref, q3_ref):
    y2 = _y2_of(zg_ref, c1_ref, s1_ref, q1_ref, g1_ref, b1_ref, w2_ref)
    scale2, shift2 = _bn_coefs(s2_ref, q2_ref, g2_ref, b2_ref)
    y2n = jnp.maximum(y2 * scale2 + shift2, 0.0)
    y3 = lax.dot_general(y2n, w3_ref[...], (((1,), (1,)), ((), ())),
                         preferred_element_type=jnp.float32)
    _acc_stats(_first(pl.program_id(0), pl.program_id(1)), y3, s3_ref, q3_ref, 256)


def _l3_stats(zg3, c1, s1, q1, g1, b1, w2, s2, q2, g2, b2, w3):
    sblk = 32
    extra = [
        pl.BlockSpec((1, 128), lambda b, s: (0, 0)),
        pl.BlockSpec((1, 128), lambda b, s: (0, 0)),
        pl.BlockSpec((1, 128), lambda b, s: (0, 0)),
        pl.BlockSpec((1, 128), lambda b, s: (0, 0)),
        pl.BlockSpec((256, 128), lambda b, s: (0, 0)),
    ]
    return pl.pallas_call(
        _l3s_body,
        grid=(_B, _S // sblk),
        in_specs=_mlp_specs(sblk, extra),
        out_specs=[
            pl.BlockSpec((1, 256), lambda b, s: (0, 0)),
            pl.BlockSpec((1, 256), lambda b, s: (0, 0)),
        ],
        out_shape=[
            jax.ShapeDtypeStruct((1, 256), jnp.float32),
            jax.ShapeDtypeStruct((1, 256), jnp.float32),
        ],
    )(zg3, c1, s1, q1, g1, b1, w2, s2, q2, g2, b2, w3)


def _final_body(zg_ref, c1_ref, s1_ref, q1_ref, g1_ref, b1_ref, w2_ref,
                s2_ref, q2_ref, g2_ref, b2_ref, w3_ref,
                s3_ref, q3_ref, g3_ref, b3_ref, out_ref):
    y2 = _y2_of(zg_ref, c1_ref, s1_ref, q1_ref, g1_ref, b1_ref, w2_ref)
    scale2, shift2 = _bn_coefs(s2_ref, q2_ref, g2_ref, b2_ref)
    y2n = jnp.maximum(y2 * scale2 + shift2, 0.0)
    y3 = lax.dot_general(y2n, w3_ref[...], (((1,), (1,)), ((), ())),
                         preferred_element_type=jnp.float32)
    scale3, shift3 = _bn_coefs(s3_ref, q3_ref, g3_ref, b3_ref)
    y3n = jnp.maximum(y3 * scale3 + shift3, 0.0)
    sblk = y3n.shape[0] // _K
    out_ref[0] = jnp.max(y3n.reshape(sblk, _K, 256), axis=1)


def _final(zg3, c1, s1, q1, g1, b1, w2, s2, q2, g2, b2, w3, s3, q3, g3, b3):
    sblk = 32
    extra = [
        pl.BlockSpec((1, 128), lambda b, s: (0, 0)),
        pl.BlockSpec((1, 128), lambda b, s: (0, 0)),
        pl.BlockSpec((1, 128), lambda b, s: (0, 0)),
        pl.BlockSpec((1, 128), lambda b, s: (0, 0)),
        pl.BlockSpec((256, 128), lambda b, s: (0, 0)),
        pl.BlockSpec((1, 256), lambda b, s: (0, 0)),
        pl.BlockSpec((1, 256), lambda b, s: (0, 0)),
        pl.BlockSpec((1, 256), lambda b, s: (0, 0)),
        pl.BlockSpec((1, 256), lambda b, s: (0, 0)),
    ]
    return pl.pallas_call(
        _final_body,
        grid=(_B, _S // sblk),
        in_specs=_mlp_specs(sblk, extra),
        out_specs=pl.BlockSpec((1, sblk, 256), lambda b, s: (b, s, 0)),
        out_shape=jax.ShapeDtypeStruct((_B, _S, 256), jnp.float32),
    )(zg3, c1, s1, q1, g1, b1, w2, s2, q2, g2, b2, w3, s3, q3, g3, b3)


def kernel(xyz, points, W1, g1, b1, W2, g2, b2, W3, g3, b3):
    new_xyz = _fps(xyz)
    z = _project(xyz, points, W1)
    flat_idx = _knn(new_xyz, xyz).reshape(-1)
    zg = _gather_sc(z.reshape(_B * _N, 64), flat_idx)
    zg3 = zg.reshape(_B, _S * _K, 64)

    g1r, b1r = g1.reshape(1, 64), b1.reshape(1, 64)
    g2r, b2r = g2.reshape(1, 128), b2.reshape(1, 128)
    g3r, b3r = g3.reshape(1, 256), b3.reshape(1, 256)

    c1, s1, q1 = _stats1(zg3, new_xyz, W1)
    s2, q2 = _l2_stats(zg3, c1, s1, q1, g1r, b1r, W2)
    s3, q3 = _l3_stats(zg3, c1, s1, q1, g1r, b1r, W2, s2, q2, g2r, b2r, W3)
    out = _final(zg3, c1, s1, q1, g1r, b1r, W2, s2, q2, g2r, b2r, W3,
                 s3, q3, g3r, b3r)

    return (new_xyz, jnp.transpose(out, (0, 2, 1)))

# --- scband reference (transcript-rebuilt; emitter-appended) ---
"""Pipeline reference for scband-point-net-set-abstraction-knn-83425444757843 (READ-ONLY COPY).

The authoritative reference and input builder live on the scoring server;
editing this copy changes nothing except your own understanding.
"""

import jax, jax.numpy as jnp
import numpy as np

B, N, CIN = 8, 4096, 64
NPOINT, K = 1024, 32
MLP = [64, 128, 256]


def index_points(points, idx):
    return jax.vmap(lambda p, i: p[i])(points, idx)


def square_distance(src, dst):
    d = -2.0 * jnp.einsum('bmc,bnc->bmn', src, dst)
    d = d + jnp.sum(src ** 2, axis=-1)[:, :, None]
    d = d + jnp.sum(dst ** 2, axis=-1)[:, None, :]
    return d


def farthest_point_sample(xyz, npoint):
    b, n, _ = xyz.shape
    def body(i, state):
        centroids, distance, farthest = state
        centroids = centroids.at[:, i].set(farthest)
        centroid = jnp.take_along_axis(xyz, farthest[:, None, None], axis=1)
        d = jnp.sum((xyz - centroid) ** 2, axis=-1)
        distance = jnp.minimum(distance, d)
        farthest = jnp.argmax(distance, axis=-1).astype(jnp.int32)
        return (centroids, distance, farthest)
    init = (jnp.zeros((b, npoint), jnp.int32),
            jnp.full((b, n), 1e10, jnp.float32),
            jnp.zeros((b,), jnp.int32))
    centroids, _, _ = jax.lax.fori_loop(0, npoint, body, init)
    return centroids


def _conv_bn_relu(x, W, g, b):
    y = jnp.einsum('bskc,oc->bsko', x, W)
    mean = jnp.mean(y, axis=(0, 1, 2))
    var = jnp.var(y, axis=(0, 1, 2))
    y = (y - mean) / jnp.sqrt(var + 1e-5) * g + b
    return jax.nn.relu(y)


def setup_inputs(seed: int = 0):
    key = jax.random.key(seed)
    ks = jax.random.split(key, 6)
    xyz = jax.random.normal(ks[0], (B, 3, N), jnp.float32)
    points = jax.random.normal(ks[1], (B, CIN, N), jnp.float32)
    W1 = jax.random.normal(ks[2], (MLP[0], CIN + 3), jnp.float32) * 0.05
    W2 = jax.random.normal(ks[3], (MLP[1], MLP[0]), jnp.float32) * 0.05
    W3 = jax.random.normal(ks[4], (MLP[2], MLP[1]), jnp.float32) * 0.05
    g1 = jnp.ones((MLP[0],), jnp.float32); b1 = jnp.zeros((MLP[0],), jnp.float32)
    g2 = jnp.ones((MLP[1],), jnp.float32); b2 = jnp.zeros((MLP[1],), jnp.float32)
    g3 = jnp.ones((MLP[2],), jnp.float32); b3 = jnp.zeros((MLP[2],), jnp.float32)
    return dict(xyz=xyz, points=points, W1=W1, g1=g1, b1=b1,
                W2=W2, g2=g2, b2=b2, W3=W3, g3=g3, b3=b3)


def reference(xyz, points, W1, g1, b1, W2, g2, b2, W3, g3, b3):
    xyz_t = jnp.transpose(xyz, (0, 2, 1))
    pts_t = jnp.transpose(points, (0, 2, 1))
    fps_idx = farthest_point_sample(xyz_t, NPOINT)
    new_xyz = index_points(xyz_t, fps_idx)
    dist = square_distance(new_xyz, xyz_t)
    knn_idx = jnp.argsort(dist, axis=-1)[:, :, :K]
    grouped_xyz = index_points(xyz_t, knn_idx) - new_xyz[:, :, None, :]
    grouped_pts = index_points(pts_t, knn_idx)
    feat = jnp.concatenate([grouped_xyz, grouped_pts], axis=-1)
    feat = _conv_bn_relu(feat, W1, g1, b1)
    feat = _conv_bn_relu(feat, W2, g2, b2)
    feat = _conv_bn_relu(feat, W3, g3, b3)
    out = jnp.max(feat, axis=2)
    return (jnp.transpose(new_xyz, (0, 2, 1)), jnp.transpose(out, (0, 2, 1)))

if __name__ == "__main__":
    import jax
    _d = setup_inputs()
    print(jax.jit(kernel)(*tuple(_d.values())))

</pallas_src>

<mosaic_0001>
#map = affine_map<(d0, d1) -> (0, 0)>
#map1 = affine_map<(d0, d1) -> (0)>
module attributes {stable_mosaic.version = 14 : i64} {
  func.func @k(%arg0: i32, %arg1: i32, %arg2: memref<32768x64xf32, #tpu.memory_space<hbm>>, %arg3: memref<262144xi32, #tpu.memory_space<hbm>>, %arg4: memref<262144x64xf32, #tpu.memory_space<hbm>>, %arg5: memref<128xi32, #tpu.memory_space<vmem>>, %arg6: memref<128x64xf32, #tpu.memory_space<vmem>>, %arg7: memref<!tpu.dma_semaphore, #tpu.memory_space<semaphore_mem>>) attributes {dimension_semantics = [#tpu.dimension_semantics<core_parallel>, #tpu.dimension_semantics<subcore_parallel>], iteration_bounds = array<i64: 2, 16>, scalar_prefetch = 0 : i64, scratch_operands = 3 : i64, tpu.core_type = #tpu.core_type<sc_vector_subcore>, window_params = [{transform_indices = #map}, {transform_indices = #map1}, {transform_indices = #map}]} {
    %mul3A = arith.constant 2 : i32
    %mul3A_0 = arith.muli %arg1, %mul3A : i32
    %add3A = arith.addi %mul3A_0, %arg0 : i32
    %mul3A_1 = arith.constant 8192 : i32
    %mul3A_2 = arith.muli %add3A, %mul3A_1 : i32
    %scan3A = arith.constant 0 : i32
    %scan3A_3 = arith.constant 0 : i32
    %scan3A_4 = arith.constant 64 : i32
    %scan3A_5 = arith.addi %scan3A_3, %scan3A_4 : i32
    %scan3A_6 = arith.constant 1 : i32
    %scan3A_7 = scf.for %scan3A_9 = %scan3A_3 to %scan3A_5 step %scan3A_6 iter_args(%scan3A_10 = %scan3A) -> (i32)  : i32 {
      %mul3A_11 = arith.constant 128 : i32
      %mul3A_12 = arith.muli %scan3A_9, %mul3A_11 : i32
      %add3A_13 = arith.addi %mul3A_2, %mul3A_12 : i32
      "tpu.region"() ({
        %run_scoped3A = tpu.sem_alloc : memref<!tpu.dma_semaphore, #tpu.memory_space<semaphore_mem>>
        %dma_start3A_19 = tpu.memref_slice %arg3[%add3A_13] : memref<262144xi32, #tpu.memory_space<hbm>> -> memref<128xi32, #tpu.memory_space<hbm>>
        %dma_start3A_20 = tpu.memref_slice %arg3[%add3A_13] : memref<262144xi32, #tpu.memory_space<hbm>> -> memref<128xi32, #tpu.memory_space<hbm>>
        tpu.enqueue_dma source(%dma_start3A_20 : memref<128xi32, #tpu.memory_space<hbm>>) target(%arg5 : memref<128xi32, #tpu.memory_space<vmem>>) target_semaphore(%run_scoped3A : memref<!tpu.dma_semaphore, #tpu.memory_space<semaphore_mem>>)
        %dma_wait3A_21 = tpu.memref_slice %arg3[%add3A_13] : memref<262144xi32, #tpu.memory_space<hbm>> -> memref<128xi32, #tpu.memory_space<hbm>>
        %dma_wait3A_22 = tpu.memref_slice %arg3[%add3A_13] : memref<262144xi32, #tpu.memory_space<hbm>> -> memref<128xi32, #tpu.memory_space<hbm>>
        tpu.wait_dma2 semaphore(%run_scoped3A : memref<!tpu.dma_semaphore, #tpu.memory_space<semaphore_mem>>) src(%dma_wait3A_22 : memref<128xi32, #tpu.memory_space<hbm>>) dst(%arg5 : memref<128xi32, #tpu.memory_space<vmem>>)
        tpu.yield
      }) : () -> ()
      %dma_start3A = arith.constant 0 : i32
      %dma_start3A_14 = arith.constant 0 : i32
      %dma_start3A_15 = tpu.memref_slice %arg2[%dma_start3A, %dma_start3A_14] : memref<32768x64xf32, #tpu.memory_space<hbm>> -> memref<32768x64xf32, #tpu.memory_space<hbm>>
      tpu.enqueue_indirect_dma source(%dma_start3A_15 : memref<32768x64xf32, #tpu.memory_space<hbm>>) target(%arg6 : memref<128x64xf32, #tpu.memory_space<vmem>>) offsets(%arg5 : memref<128xi32, #tpu.memory_space<vmem>>) semaphore(%arg7 : memref<!tpu.dma_semaphore, #tpu.memory_space<semaphore_mem>>)
      %dma_wait3A = arith.constant 0 : i32
      %dma_wait3A_16 = arith.constant 0 : i32
      %dma_wait3A_17 = tpu.memref_slice %arg2[%dma_wait3A, %dma_wait3A_16] : memref<32768x64xf32, #tpu.memory_space<hbm>> -> memref<32768x64xf32, #tpu.memory_space<hbm>>
      tpu.wait_indirect_dma semaphore(%arg7 : memref<!tpu.dma_semaphore, #tpu.memory_space<semaphore_mem>>) src(%dma_wait3A_17 : memref<32768x64xf32, #tpu.memory_space<hbm>>) dst(%arg6 : memref<128x64xf32, #tpu.memory_space<vmem>>)
      "tpu.region"() ({
        %run_scoped3A = tpu.sem_alloc : memref<!tpu.dma_semaphore, #tpu.memory_space<semaphore_mem>>
        %dma_start3A_19 = arith.constant 0 : i32
        %dma_start3A_20 = tpu.memref_slice %arg4[%add3A_13, %dma_start3A_19] : memref<262144x64xf32, #tpu.memory_space<hbm>> -> memref<128x64xf32, #tpu.memory_space<hbm>>
        %dma_start3A_21 = arith.constant 0 : i32
        %dma_start3A_22 = tpu.memref_slice %arg4[%add3A_13, %dma_start3A_21] : memref<262144x64xf32, #tpu.memory_space<hbm>> -> memref<128x64xf32, #tpu.memory_space<hbm>>
        tpu.enqueue_dma source(%arg6 : memref<128x64xf32, #tpu.memory_space<vmem>>) target(%dma_start3A_22 : memref<128x64xf32, #tpu.memory_space<hbm>>) target_semaphore(%run_scoped3A : memref<!tpu.dma_semaphore, #tpu.memory_space<semaphore_mem>>)
        %dma_wait3A_23 = arith.constant 0 : i32
        %dma_wait3A_24 = tpu.memref_slice %arg4[%add3A_13, %dma_wait3A_23] : memref<262144x64xf32, #tpu.memory_space<hbm>> -> memref<128x64xf32, #tpu.memory_space<hbm>>
        %dma_wait3A_25 = arith.constant 0 : i32
        %dma_wait3A_26 = tpu.memref_slice %arg4[%add3A_13, %dma_wait3A_25] : memref<262144x64xf32, #tpu.memory_space<hbm>> -> memref<128x64xf32, #tpu.memory_space<hbm>>
        tpu.wait_dma2 semaphore(%run_scoped3A : memref<!tpu.dma_semaphore, #tpu.memory_space<semaphore_mem>>) src(%arg6 : memref<128x64xf32, #tpu.memory_space<vmem>>) dst(%dma_wait3A_26 : memref<128x64xf32, #tpu.memory_space<hbm>>)
        tpu.yield
      }) : () -> ()
      %scan3A_18 = arith.constant 0 : i32
      scf.yield %scan3A_18 : i32
    }
    %scan3A_8 = arith.constant 64 : i32
    return
  }
}

module attributes {stable_mosaic.version = 14 : i64} {
  func.func @_fps_body(%arg0: memref<8x3x4096xf32, #tpu.memory_space<vmem>>, %arg1: memref<8x3x1024xf32, #tpu.memory_space<vmem>>) attributes {dimension_semantics = [], scalar_prefetch = 0 : i64, scratch_operands = 0 : i64, tpu.core_type = #tpu.core_type<tc>} {
    %get3A = arith.constant 0 : index
    %get3A_0 = arith.constant 0 : index
    %get3A_1 = arith.constant 0 : index
    %get3A_2 = vector.load %arg0[%get3A, %get3A_0, %get3A_1] : memref<8x3x4096xf32, #tpu.memory_space<vmem>>, vector<8x1x4096xf32>
    %get3A_3 = vector.shape_cast %get3A_2 : vector<8x1x4096xf32> to vector<8x4096xf32>
    %get3A_4 = arith.constant 0 : index
    %get3A_5 = arith.constant 1 : index
    %get3A_6 = arith.constant 0 : index
    %get3A_7 = vector.load %arg0[%get3A_4, %get3A_5, %get3A_6] : memref<8x3x4096xf32, #tpu.memory_space<vmem>>, vector<8x1x4096xf32>
    %get3A_8 = vector.shape_cast %get3A_7 : vector<8x1x4096xf32> to vector<8x4096xf32>
    %get3A_9 = arith.constant 0 : index
    %get3A_10 = arith.constant 2 : index
    %get3A_11 = arith.constant 0 : index
    %get3A_12 = vector.load %arg0[%get3A_9, %get3A_10, %get3A_11] : memref<8x3x4096xf32, #tpu.memory_space<vmem>>, vector<8x1x4096xf32>
    %get3A_13 = vector.shape_cast %get3A_12 : vector<8x1x4096xf32> to vector<8x4096xf32>
    %iota3A = tpu.iota {dimensions = array<i32: 1>} : vector<8x4096xi32>
    %iota3A_14 = tpu.iota {dimensions = array<i32: 1>} : vector<8x1024xi32>
    %broadcast_in_dim3A = arith.constant 1.000000e+10 : f32
    %broadcast_in_dim3A_15 = vector.broadcast %broadcast_in_dim3A : f32 to vector<8x4096xf32>
    %broadcast_in_dim3A_16 = arith.constant 0 : i32
    %broadcast_in_dim3A_17 = vector.broadcast %broadcast_in_dim3A_16 : i32 to vector<8x1xi32>
    %scan3A = arith.constant 0 : i32
    %scan3A_18 = arith.constant 1024 : i32
    %scan3A_19 = arith.addi %scan3A, %scan3A_18 : i32
    %scan3A_20 = arith.constant 1 : i32
    %scan3A_21:2 = scf.for %scan3A_23 = %scan3A to %scan3A_19 step %scan3A_20 iter_args(%scan3A_24 = %broadcast_in_dim3A_15, %scan3A_25 = %broadcast_in_dim3A_17) -> (vector<8x4096xf32>, vector<8x1xi32>)  : i32 {
      %eq3A = vector.broadcast %scan3A_25 : vector<8x1xi32> to vector<8x4096xi32>
      %eq3A_26 = arith.cmpi eq, %iota3A, %eq3A : vector<8x4096xi32>
      %jit3A = arith.constant 0.000000e+00 : f32
      %broadcast_in_dim3A_27 = vector.broadcast %jit3A : f32 to vector<8x4096xf32>
      %select_n3A = arith.select %eq3A_26, %get3A_3, %broadcast_in_dim3A_27 : vector<8x4096xi1>, vector<8x4096xf32>
      %reduce_sum3A = arith.constant dense<0.000000e+00> : vector<8xf32>
      %reduce_sum3A_28 = vector.multi_reduction <add>, %select_n3A, %reduce_sum3A [1] : vector<8x4096xf32> to vector<8xf32>
      %broadcast_in_dim3A_29 = vector.shape_cast %reduce_sum3A_28 : vector<8xf32> to vector<8x1xf32>
      %jit3A_30 = arith.constant 0.000000e+00 : f32
      %broadcast_in_dim3A_31 = vector.broadcast %jit3A_30 : f32 to vector<8x4096xf32>
      %select_n3A_32 = arith.select %eq3A_26, %get3A_8, %broadcast_in_dim3A_31 : vector<8x4096xi1>, vector<8x4096xf32>
      %reduce_sum3A_33 = arith.constant dense<0.000000e+00> : vector<8xf32>
      %reduce_sum3A_34 = vector.multi_reduction <add>, %select_n3A_32, %reduce_sum3A_33 [1] : vector<8x4096xf32> to vector<8xf32>
      %broadcast_in_dim3A_35 = vector.shape_cast %reduce_sum3A_34 : vector<8xf32> to vector<8x1xf32>
      %jit3A_36 = arith.constant 0.000000e+00 : f32
      %broadcast_in_dim3A_37 = vector.broadcast %jit3A_36 : f32 to vector<8x4096xf32>
      %select_n3A_38 = arith.select %eq3A_26, %get3A_13, %broadcast_in_dim3A_37 : vector<8x4096xi1>, vector<8x4096xf32>
      %reduce_sum3A_39 = arith.constant dense<0.000000e+00> : vector<8xf32>
      %reduce_sum3A_40 = vector.multi_reduction <add>, %select_n3A_38, %reduce_sum3A_39 [1] : vector<8x4096xf32> to vector<8xf32>
      %broadcast_in_dim3A_41 = vector.shape_cast %reduce_sum3A_40 : vector<8xf32> to vector<8x1xf32>
      %eq3A_42 = vector.broadcast %scan3A_23 : i32 to vector<8x1024xi32>
      %eq3A_43 = arith.cmpi eq, %iota3A_14, %eq3A_42 : vector<8x1024xi32>
      %get3A_44 = arith.constant 0 : index
      %get3A_45 = arith.constant 0 : index
      %get3A_46 = arith.constant 0 : index
      %get3A_47 = vector.load %arg1[%get3A_44, %get3A_45, %get3A_46] : memref<8x3x1024xf32, #tpu.memory_space<vmem>>, vector<8x1x1024xf32>
      %get3A_48 = vector.shape_cast %get3A_47 : vector<8x1x1024xf32> to vector<8x1024xf32>
      %broadcast_in_dim3A_49 = vector.shape_cast %broadcast_in_dim3A_29 : vector<8x1xf32> to vector<8x1xf32>
      %broadcast_in_dim3A_50 = vector.broadcast %broadcast_in_dim3A_49 : vector<8x1xf32> to vector<8x1024xf32>
      %select_n3A_51 = arith.select %eq3A_43, %broadcast_in_dim3A_50, %get3A_48 : vector<8x1024xi1>, vector<8x1024xf32>
      %swap3A = arith.constant 0 : index
      %swap3A_52 = arith.constant 0 : index
      %swap3A_53 = arith.constant 0 : index
      %swap3A_54 = vector.load %arg1[%swap3A, %swap3A_52, %swap3A_53] : memref<8x3x1024xf32, #tpu.memory_space<vmem>>, vector<8x1x1024xf32>
      %swap3A_55 = vector.shape_cast %swap3A_54 : vector<8x1x1024xf32> to vector<8x1024xf32>
      %swap3A_56 = vector.shape_cast %select_n3A_51 : vector<8x1024xf32> to vector<8x1x1024xf32>
      tpu.vector_store %arg1[%swap3A, %swap3A_52, %swap3A_53], %swap3A_56 {strides = array<i32>} : memref<8x3x1024xf32, #tpu.memory_space<vmem>>, vector<8x1x1024xf32>,
      %get3A_57 = arith.constant 0 : index
      %get3A_58 = arith.constant 1 : index
      %get3A_59 = arith.constant 0 : index
      %get3A_60 = vector.load %arg1[%get3A_57, %get3A_58, %get3A_59] : memref<8x3x1024xf32, #tpu.memory_space<vmem>>, vector<8x1x1024xf32>
      %get3A_61 = vector.shape_cast %get3A_60 : vector<8x1x1024xf32> to vector<8x1024xf32>
      %broadcast_in_dim3A_62 = vector.shape_cast %broadcast_in_dim3A_35 : vector<8x1xf32> to vector<8x1xf32>
      %broadcast_in_dim3A_63 = vector.broadcast %broadcast_in_dim3A_62 : vector<8x1xf32> to vector<8x1024xf32>
      %select_n3A_64 = arith.select %eq3A_43, %broadcast_in_dim3A_63, %get3A_61 : vector<8x1024xi1>, vector<8x1024xf32>
      %swap3A_65 = arith.constant 0 : index
      %swap3A_66 = arith.constant 1 : index
      %swap3A_67 = arith.constant 0 : index
      %swap3A_68 = vector.load %arg1[%swap3A_65, %swap3A_66, %swap3A_67] : memref<8x3x1024xf32, #tpu.memory_space<vmem>>, vector<8x1x1024xf32>
      %swap3A_69 = vector.shape_cast %swap3A_68 : vector<8x1x1024xf32> to vector<8x1024xf32>
      %swap3A_70 = vector.shape_cast %select_n3A_64 : vector<8x1024xf32> to vector<8x1x1024xf32>
      tpu.vector_store %arg1[%swap3A_65, %swap3A_66, %swap3A_67], %swap3A_70 {strides = array<i32>} : memref<8x3x1024xf32, #tpu.memory_space<vmem>>, vector<8x1x1024xf32>,
      %get3A_71 = arith.constant 0 : index
      %get3A_72 = arith.constant 2 : index
      %get3A_73 = arith.constant 0 : index
      %get3A_74 = vector.load %arg1[%get3A_71, %get3A_72, %get3A_73] : memref<8x3x1024xf32, #tpu.memory_space<vmem>>, vector<8x1x1024xf32>
      %get3A_75 = vector.shape_cast %get3A_74 : vector<8x1x1024xf32> to vector<8x1024xf32>
      %broadcast_in_dim3A_76 = vector.shape_cast %broadcast_in_dim3A_41 : vector<8x1xf32> to vector<8x1xf32>
      %broadcast_in_dim3A_77 = vector.broadcast %broadcast_in_dim3A_76 : vector<8x1xf32> to vector<8x1024xf32>
      %select_n3A_78 = arith.select %eq3A_43, %broadcast_in_dim3A_77, %get3A_75 : vector<8x1024xi1>, vector<8x1024xf32>
      %swap3A_79 = arith.constant 0 : index
      %swap3A_80 = arith.constant 2 : index
      %swap3A_81 = arith.constant 0 : index
      %swap3A_82 = vector.load %arg1[%swap3A_79, %swap3A_80, %swap3A_81] : memref<8x3x1024xf32, #tpu.memory_space<vmem>>, vector<8x1x1024xf32>
      %swap3A_83 = vector.shape_cast %swap3A_82 : vector<8x1x1024xf32> to vector<8x1024xf32>
      %swap3A_84 = vector.shape_cast %select_n3A_78 : vector<8x1024xf32> to vector<8x1x1024xf32>
      tpu.vector_store %arg1[%swap3A_79, %swap3A_80, %swap3A_81], %swap3A_84 {strides = array<i32>} : memref<8x3x1024xf32, #tpu.memory_space<vmem>>, vector<8x1x1024xf32>,
      %sub3A = vector.broadcast %broadcast_in_dim3A_29 : vector<8x1xf32> to vector<8x4096xf32>
      %sub3A_85 = arith.subf %get3A_3, %sub3A : vector<8x4096xf32>
      %sub3A_86 = vector.broadcast %broadcast_in_dim3A_35 : vector<8x1xf32> to vector<8x4096xf32>
      %sub3A_87 = arith.subf %get3A_8, %sub3A_86 : vector<8x4096xf32>
      %sub3A_88 = vector.broadcast %broadcast_in_dim3A_41 : vector<8x1xf32> to vector<8x4096xf32>
      %sub3A_89 = arith.subf %get3A_13, %sub3A_88 : vector<8x4096xf32>
      %mul3A = arith.mulf %sub3A_85, %sub3A_85 : vector<8x4096xf32>
      %mul3A_90 = arith.mulf %sub3A_87, %sub3A_87 : vector<8x4096xf32>
      %add3A = arith.addf %mul3A, %mul3A_90 : vector<8x4096xf32>
      %mul3A_91 = arith.mulf %sub3A_89, %sub3A_89 : vector<8x4096xf32>
      %add3A_92 = arith.addf %add3A, %mul3A_91 : vector<8x4096xf32>
      %min3A = arith.minimumf %scan3A_24, %add3A_92 : vector<8x4096xf32>
      %reduce_max3A = arith.constant dense<0xFF800000> : vector<8xf32>
      %reduce_max3A_93 = vector.multi_reduction <maximumf>, %min3A, %reduce_max3A [1] : vector<8x4096xf32> to vector<8xf32>
      %broadcast_in_dim3A_94 = vector.shape_cast %reduce_max3A_93 : vector<8xf32> to vector<8x1xf32>
      %eq3A_95 = vector.broadcast %broadcast_in_dim3A_94 : vector<8x1xf32> to vector<8x4096xf32>
      %eq3A_96 = arith.cmpf oeq, %min3A, %eq3A_95 : vector<8x4096xf32>
      %jit3A_97 = arith.constant 4096 : i32
      %broadcast_in_dim3A_98 = vector.broadcast %jit3A_97 : i32 to vector<8x4096xi32>
      %select_n3A_99 = arith.select %eq3A_96, %iota3A, %broadcast_in_dim3A_98 : vector<8x4096xi1>, vector<8x4096xi32>
      %reduce_min3A = arith.constant dense<2147483647> : vector<8xi32>
      %reduce_min3A_100 = vector.multi_reduction <minsi>, %select_n3A_99, %reduce_min3A [1] : vector<8x4096xi32> to vector<8xi32>
      %broadcast_in_dim3A_101 = vector.shape_cast %reduce_min3A_100 : vector<8xi32> to vector<8x1xi32>
      scf.yield %min3A, %broadcast_in_dim3A_101 : vector<8x4096xf32>, vector<8x1xi32>
    }
    %scan3A_22 = arith.constant 1024 : i32
    return
  }
}

module attributes {stable_mosaic.version = 14 : i64} {
  func.func @_knn_body(%arg0: i32, %arg1: i32, %arg2: memref<1x3x128xf32, #tpu.memory_space<vmem>>, %arg3: memref<1x3x4096xf32, #tpu.memory_space<vmem>>, %arg4: memref<1x128x32xi32, #tpu.memory_space<vmem>>, %arg5: memref<128x32xi32, #tpu.memory_space<vmem>>) attributes {dimension_semantics = [#tpu.dimension_semantics<arbitrary>, #tpu.dimension_semantics<arbitrary>], iteration_bounds = array<i64: 8, 8>, scalar_prefetch = 0 : i64, scratch_operands = 1 : i64, tpu.core_type = #tpu.core_type<tc>, window_params = [{transform_indices = @transform_0, window_bounds = array<i64: 1, 3, 128>}, {transform_indices = @transform_1, window_bounds = array<i64: 1, 3, 4096>}, {transform_indices = @transform_2, window_bounds = array<i64: 1, 128, 32>}]} {
    %get3A = arith.constant 0 : index
    %get3A_0 = arith.constant 0 : index
    %get3A_1 = arith.constant 0 : index
    %get3A_2 = vector.load %arg2[%get3A, %get3A_0, %get3A_1] : memref<1x3x128xf32, #tpu.memory_space<vmem>>, vector<1x3x128xf32>
    %get3A_3 = vector.shape_cast %get3A_2 : vector<1x3x128xf32> to vector<3x128xf32>
    %get3A_4 = arith.constant 0 : index
    %get3A_5 = arith.constant 0 : index
    %get3A_6 = arith.constant 0 : index
    %get3A_7 = vector.load %arg3[%get3A_4, %get3A_5, %get3A_6] : memref<1x3x4096xf32, #tpu.memory_space<vmem>>, vector<1x3x4096xf32>
    %get3A_8 = vector.shape_cast %get3A_7 : vector<1x3x4096xf32> to vector<3x4096xf32>
    %mul3A = arith.mulf %get3A_8, %get3A_8 : vector<3x4096xf32>
    %reduce_sum3A = arith.constant dense<0.000000e+00> : vector<4096xf32>
    %reduce_sum3A_9 = vector.multi_reduction <add>, %mul3A, %reduce_sum3A [0] : vector<3x4096xf32> to vector<4096xf32>
    %broadcast_in_dim3A = vector.shape_cast %reduce_sum3A_9 : vector<4096xf32> to vector<1x4096xf32>
    %dot_general3A = arith.constant dense<0.000000e+00> : vector<128x4096xf32>
    %dot_general3A_10 = tpu.matmul %get3A_3, %get3A_8, %dot_general3A {dimension_numbers = #tpu.dot_dimension_numbers<[0], [0], [1], [1], [0, 1, 1, 1], [], []>, transpose_lhs_hint = false} : vector<3x128xf32>, vector<3x4096xf32>, vector<128x4096xf32> -> vector<128x4096xf32>
    %mul3A_11 = arith.constant 2.000000e+00 : f32
    %mul3A_12 = vector.broadcast %mul3A_11 : f32 to vector<128x4096xf32>
    %mul3A_13 = arith.mulf %mul3A_12, %dot_general3A_10 : vector<128x4096xf32>
    %sub3A = vector.broadcast %broadcast_in_dim3A : vector<1x4096xf32> to vector<128x4096xf32>
    %sub3A_14 = arith.subf %sub3A, %mul3A_13 : vector<128x4096xf32>
    %reshape3A = vector.shape_cast %sub3A_14 : vector<128x4096xf32> to vector<128x128x32xf32>
    %reduce_min3A = arith.constant dense<0x7F800000> : vector<128x128xf32>
    %reduce_min3A_15 = vector.multi_reduction <minimumf>, %reshape3A, %reduce_min3A [2] : vector<128x128x32xf32> to vector<128x128xf32>
    %iota3A = tpu.iota {dimensions = array<i32: 1>} : vector<128x128xi32>
    %iota3A_16 = tpu.iota {dimensions = array<i32: 1>} : vector<128x32xi32>
    %scan3A = arith.constant 0 : i32
    %scan3A_17 = arith.constant 32 : i32
    %scan3A_18 = arith.addi %scan3A, %scan3A_17 : i32
    %scan3A_19 = arith.constant 1 : i32
    %scan3A_20 = scf.for %scan3A_50 = %scan3A to %scan3A_18 step %scan3A_19 iter_args(%scan3A_51 = %reduce_min3A_15) -> (vector<128x128xf32>)  : i32 {
      %reduce_min3A_52 = arith.constant dense<0x7F800000> : vector<128xf32>
      %reduce_min3A_53 = vector.multi_reduction <minimumf>, %scan3A_51, %reduce_min3A_52 [1] : vector<128x128xf32> to vector<128xf32>
      %broadcast_in_dim3A_54 = vector.shape_cast %reduce_min3A_53 : vector<128xf32> to vector<128x1xf32>
      %eq3A_55 = vector.broadcast %broadcast_in_dim3A_54 : vector<128x1xf32> to vector<128x128xf32>
      %eq3A_56 = arith.cmpf oeq, %scan3A_51, %eq3A_55 : vector<128x128xf32>
      %jit3A = arith.constant 128 : i32
      %broadcast_in_dim3A_57 = vector.broadcast %jit3A : i32 to vector<128x128xi32>
      %select_n3A = arith.select %eq3A_56, %iota3A, %broadcast_in_dim3A_57 : vector<128x128xi1>, vector<128x128xi32>
      %reduce_min3A_58 = arith.constant dense<2147483647> : vector<128xi32>
      %reduce_min3A_59 = vector.multi_reduction <minsi>, %select_n3A, %reduce_min3A_58 [1] : vector<128x128xi32> to vector<128xi32>
      %broadcast_in_dim3A_60 = vector.shape_cast %reduce_min3A_59 : vector<128xi32> to vector<128x1xi32>
      %eq3A_61 = vector.broadcast %scan3A_50 : i32 to vector<128x32xi32>
      %eq3A_62 = arith.cmpi eq, %iota3A_16, %eq3A_61 : vector<128x32xi32>
      %get3A_63 = arith.constant 0 : index
      %get3A_64 = arith.constant 0 : index
      %get3A_65 = vector.load %arg5[%get3A_63, %get3A_64] : memref<128x32xi32, #tpu.memory_space<vmem>>, vector<128x32xi32>
      %broadcast_in_dim3A_66 = vector.shape_cast %broadcast_in_dim3A_60 : vector<128x1xi32> to vector<128x1xi32>
      %broadcast_in_dim3A_67 = vector.broadcast %broadcast_in_dim3A_66 : vector<128x1xi32> to vector<128x32xi32>
      %select_n3A_68 = arith.select %eq3A_62, %broadcast_in_dim3A_67, %get3A_65 : vector<128x32xi1>, vector<128x32xi32>
      %swap3A = arith.constant 0 : index
      %swap3A_69 = arith.constant 0 : index
      %swap3A_70 = vector.load %arg5[%swap3A, %swap3A_69] : memref<128x32xi32, #tpu.memory_space<vmem>>, vector<128x32xi32>
      tpu.vector_store %arg5[%swap3A, %swap3A_69], %select_n3A_68 {strides = array<i32>} : memref<128x32xi32, #tpu.memory_space<vmem>>, vector<128x32xi32>,
      %eq3A_71 = vector.broadcast %broadcast_in_dim3A_60 : vector<128x1xi32> to vector<128x128xi32>
      %eq3A_72 = arith.cmpi eq, %iota3A, %eq3A_71 : vector<128x128xi32>
      %jit3A_73 = arith.constant 1.000000e+30 : f32
      %broadcast_in_dim3A_74 = vector.broadcast %jit3A_73 : f32 to vector<128x128xf32>
      %select_n3A_75 = arith.select %eq3A_72, %broadcast_in_dim3A_74, %scan3A_51 : vector<128x128xi1>, vector<128x128xf32>
      scf.yield %select_n3A_75 : vector<128x128xf32>
    }
    %scan3A_21 = arith.constant 32 : i32
    %get3A_22 = arith.constant 0 : index
    %get3A_23 = arith.constant 0 : index
    %get3A_24 = vector.load %arg5[%get3A_22, %get3A_23] : memref<128x32xi32, #tpu.memory_space<vmem>>, vector<128x32xi32>
    %broadcast_in_dim3A_25 = vector.shape_cast %get3A_24 : vector<128x32xi32> to vector<128x32x1xi32>
    %broadcast_in_dim3A_26 = vector.shape_cast %iota3A : vector<128x128xi32> to vector<128x1x128xi32>
    %eq3A = vector.broadcast %broadcast_in_dim3A_25 : vector<128x32x1xi32> to vector<128x32x128xi32>
    %eq3A_27 = vector.broadcast %broadcast_in_dim3A_26 : vector<128x1x128xi32> to vector<128x32x128xi32>
    %eq3A_28 = arith.cmpi eq, %eq3A, %eq3A_27 : vector<128x32x128xi32>
    %convert_element_type3A = arith.extui %eq3A_28 : vector<128x32x128xi1> to vector<128x32x128xi32>
    %convert_element_type3A_29 = arith.sitofp %convert_element_type3A : vector<128x32x128xi32> to vector<128x32x128xf32>
    %dot_general3A_30 = arith.constant dense<0.000000e+00> : vector<128x32x32xf32>
    %dot_general3A_31 = tpu.matmul %convert_element_type3A_29, %reshape3A, %dot_general3A_30 {dimension_numbers = #tpu.dot_dimension_numbers<[2], [1], [1], [2], [0, 0, 0, 1, 1, 2], [0], [0]>, transpose_lhs_hint = false} : vector<128x32x128xf32>, vector<128x128x32xf32>, vector<128x32x32xf32> -> vector<128x32x32xf32>
    %reshape3A_32 = vector.shape_cast %dot_general3A_31 : vector<128x32x32xf32> to vector<128x1024xf32>
    %iota3A_33 = tpu.iota {dimensions = array<i32: 2>} : vector<128x32x32xi32>
    %broadcast_in_dim3A_34 = vector.shape_cast %get3A_24 : vector<128x32xi32> to vector<128x32x1xi32>
    %mul3A_35 = arith.constant 32 : i32
    %mul3A_36 = vector.broadcast %mul3A_35 : i32 to vector<128x32x1xi32>
    %mul3A_37 = arith.muli %broadcast_in_dim3A_34, %mul3A_36 : vector<128x32x1xi32>
    %add3A = vector.broadcast %mul3A_37 : vector<128x32x1xi32> to vector<128x32x32xi32>
    %add3A_38 = arith.addi %add3A, %iota3A_33 : vector<128x32x32xi32>
    %reshape3A_39 = vector.shape_cast %add3A_38 : vector<128x32x32xi32> to vector<128x1024xi32>
    %mul3A_40 = arith.constant 4096 : i32
    %mul3A_41 = arith.muli %arg0, %mul3A_40 : i32
    %iota3A_42 = tpu.iota {dimensions = array<i32: 1>} : vector<128x32xi32>
    %scan3A_43 = arith.constant 1073741824 : i32
    %scan3A_44 = arith.constant 0 : i32
    %scan3A_45 = arith.constant 32 : i32
    %scan3A_46 = arith.addi %scan3A_44, %scan3A_45 : i32
    %scan3A_47 = arith.constant 1 : i32
    %scan3A_48 = scf.for %scan3A_50 = %scan3A_44 to %scan3A_46 step %scan3A_47 iter_args(%scan3A_51 = %reshape3A_32) -> (vector<128x1024xf32>)  : i32 {
      %reduce_min3A_52 = arith.constant dense<0x7F800000> : vector<128xf32>
      %reduce_min3A_53 = vector.multi_reduction <minimumf>, %scan3A_51, %reduce_min3A_52 [1] : vector<128x1024xf32> to vector<128xf32>
      %broadcast_in_dim3A_54 = vector.shape_cast %reduce_min3A_53 : vector<128xf32> to vector<128x1xf32>
      %eq3A_55 = vector.broadcast %broadcast_in_dim3A_54 : vector<128x1xf32> to vector<128x1024xf32>
      %eq3A_56 = arith.cmpf oeq, %scan3A_51, %eq3A_55 : vector<128x1024xf32>
      %broadcast_in_dim3A_57 = vector.broadcast %scan3A_43 : i32 to vector<128x1024xi32>
      %select_n3A = arith.select %eq3A_56, %reshape3A_39, %broadcast_in_dim3A_57 : vector<128x1024xi1>, vector<128x1024xi32>
      %reduce_min3A_58 = arith.constant dense<2147483647> : vector<128xi32>
      %reduce_min3A_59 = vector.multi_reduction <minsi>, %select_n3A, %reduce_min3A_58 [1] : vector<128x1024xi32> to vector<128xi32>
      %broadcast_in_dim3A_60 = vector.shape_cast %reduce_min3A_59 : vector<128xi32> to vector<128x1xi32>
      %eq3A_61 = vector.broadcast %scan3A_50 : i32 to vector<128x32xi32>
      %eq3A_62 = arith.cmpi eq, %iota3A_42, %eq3A_61 : vector<128x32xi32>
      %add3A_63 = vector.broadcast %mul3A_41 : i32 to vector<128x1xi32>
      %add3A_64 = arith.addi %broadcast_in_dim3A_60, %add3A_63 : vector<128x1xi32>
      %get3A_65 = arith.constant 0 : index
      %get3A_66 = arith.constant 0 : index
      %get3A_67 = arith.constant 0 : index
      %get3A_68 = vector.load %arg4[%get3A_65, %get3A_66, %get3A_67] : memref<1x128x32xi32, #tpu.memory_space<vmem>>, vector<1x128x32xi32>
      %get3A_69 = vector.shape_cast %get3A_68 : vector<1x128x32xi32> to vector<128x32xi32>
      %broadcast_in_dim3A_70 = vector.shape_cast %add3A_64 : vector<128x1xi32> to vector<128x1xi32>
      %broadcast_in_dim3A_71 = vector.broadcast %broadcast_in_dim3A_70 : vector<128x1xi32> to vector<128x32xi32>
      %select_n3A_72 = arith.select %eq3A_62, %broadcast_in_dim3A_71, %get3A_69 : vector<128x32xi1>, vector<128x32xi32>
      %swap3A = arith.constant 0 : index
      %swap3A_73 = arith.constant 0 : index
      %swap3A_74 = arith.constant 0 : index
      %swap3A_75 = vector.load %arg4[%swap3A, %swap3A_73, %swap3A_74] : memref<1x128x32xi32, #tpu.memory_space<vmem>>, vector<1x128x32xi32>
      %swap3A_76 = vector.shape_cast %swap3A_75 : vector<1x128x32xi32> to vector<128x32xi32>
      %swap3A_77 = vector.shape_cast %select_n3A_72 : vector<128x32xi32> to vector<1x128x32xi32>
      tpu.vector_store %arg4[%swap3A, %swap3A_73, %swap3A_74], %swap3A_77 {strides = array<i32>} : memref<1x128x32xi32, #tpu.memory_space<vmem>>, vector<1x128x32xi32>,
      %eq3A_78 = vector.broadcast %broadcast_in_dim3A_60 : vector<128x1xi32> to vector<128x1024xi32>
      %eq3A_79 = arith.cmpi eq, %reshape3A_39, %eq3A_78 : vector<128x1024xi32>
      %jit3A = arith.constant 1.000000e+30 : f32
      %broadcast_in_dim3A_80 = vector.broadcast %jit3A : f32 to vector<128x1024xf32>
      %select_n3A_81 = arith.select %eq3A_79, %broadcast_in_dim3A_80, %scan3A_51 : vector<128x1024xi1>, vector<128x1024xf32>
      scf.yield %select_n3A_81 : vector<128x1024xf32>
    }
    %scan3A_49 = arith.constant 32 : i32
    return
  }
  func.func @transform_0(%arg0: i32, %arg1: i32) -> (i32, i32, i32) {
    %c0_i32 = arith.constant 0 : i32
    %c0_i32_0 = arith.constant 0 : i32
    return %arg0, %c0_i32, %arg1 : i32, i32, i32
  }
  func.func @transform_1(%arg0: i32, %arg1: i32) -> (i32, i32, i32) {
    %c0_i32 = arith.constant 0 : i32
    %c0_i32_0 = arith.constant 0 : i32
    %c0_i32_1 = arith.constant 0 : i32
    return %arg0, %c0_i32, %c0_i32_0 : i32, i32, i32
  }
  func.func @transform_2(%arg0: i32, %arg1: i32) -> (i32, i32, i32) {
    %c0_i32 = arith.constant 0 : i32
    %c0_i32_0 = arith.constant 0 : i32
    return %arg0, %arg1, %c0_i32 : i32, i32, i32
  }
}

module attributes {stable_mosaic.version = 14 : i64} {
  func.func @_proj_body(%arg0: i32, %arg1: i32, %arg2: memref<1x3x512xf32, #tpu.memory_space<vmem>>, %arg3: memref<1x64x512xf32, #tpu.memory_space<vmem>>, %arg4: memref<64x67xf32, #tpu.memory_space<vmem>>, %arg5: memref<1x512x64xf32, #tpu.memory_space<vmem>>) attributes {dimension_semantics = [#tpu.dimension_semantics<arbitrary>, #tpu.dimension_semantics<arbitrary>], iteration_bounds = array<i64: 8, 8>, scalar_prefetch = 0 : i64, scratch_operands = 0 : i64, tpu.core_type = #tpu.core_type<tc>, window_params = [{transform_indices = @transform_0, window_bounds = array<i64: 1, 3, 512>}, {transform_indices = @transform_1, window_bounds = array<i64: 1, 64, 512>}, {pipeline_mode = #tpu.pipeline_mode<synchronous>, transform_indices = @transform_2, window_bounds = array<i64: 64, 67>}, {transform_indices = @transform_3, window_bounds = array<i64: 1, 512, 64>}]} {
    %get3A = arith.constant 0 : index
    %get3A_0 = arith.constant 0 : index
    %get3A_1 = vector.load %arg4[%get3A, %get3A_0] : memref<64x67xf32, #tpu.memory_space<vmem>>, vector<64x3xf32>
    %get3A_2 = arith.constant 0 : index
    %get3A_3 = arith.constant 3 : index
    %get3A_4 = vector.load %arg4[%get3A_2, %get3A_3] : memref<64x67xf32, #tpu.memory_space<vmem>>, vector<64x64xf32>
    %get3A_5 = arith.constant 0 : index
    %get3A_6 = arith.constant 0 : index
    %get3A_7 = arith.constant 0 : index
    %get3A_8 = vector.load %arg2[%get3A_5, %get3A_6, %get3A_7] : memref<1x3x512xf32, #tpu.memory_space<vmem>>, vector<1x3x512xf32>
    %get3A_9 = vector.shape_cast %get3A_8 : vector<1x3x512xf32> to vector<3x512xf32>
    %dot_general3A = arith.constant dense<0.000000e+00> : vector<512x64xf32>
    %dot_general3A_10 = tpu.matmul %get3A_9, %get3A_1, %dot_general3A {dimension_numbers = #tpu.dot_dimension_numbers<[0], [1], [1], [0], [0, 1, 1, 0], [], []>, transpose_lhs_hint = false} : vector<3x512xf32>, vector<64x3xf32>, vector<512x64xf32> -> vector<512x64xf32>
    %get3A_11 = arith.constant 0 : index
    %get3A_12 = arith.constant 0 : index
    %get3A_13 = arith.constant 0 : index
    %get3A_14 = vector.load %arg3[%get3A_11, %get3A_12, %get3A_13] : memref<1x64x512xf32, #tpu.memory_space<vmem>>, vector<1x64x512xf32>
    %get3A_15 = vector.shape_cast %get3A_14 : vector<1x64x512xf32> to vector<64x512xf32>
    %dot_general3A_16 = arith.constant dense<0.000000e+00> : vector<512x64xf32>
    %dot_general3A_17 = tpu.matmul %get3A_15, %get3A_4, %dot_general3A_16 {dimension_numbers = #tpu.dot_dimension_numbers<[0], [1], [1], [0], [0, 1, 1, 0], [], []>, transpose_lhs_hint = false} : vector<64x512xf32>, vector<64x64xf32>, vector<512x64xf32> -> vector<512x64xf32>
    %add3A = arith.addf %dot_general3A_10, %dot_general3A_17 : vector<512x64xf32>
    %swap3A = arith.constant 0 : index
    %swap3A_18 = arith.constant 0 : index
    %swap3A_19 = arith.constant 0 : index
    %swap3A_20 = vector.load %arg5[%swap3A, %swap3A_18, %swap3A_19] : memref<1x512x64xf32, #tpu.memory_space<vmem>>, vector<1x512x64xf32>
    %swap3A_21 = vector.shape_cast %swap3A_20 : vector<1x512x64xf32> to vector<512x64xf32>
    %swap3A_22 = vector.shape_cast %add3A : vector<512x64xf32> to vector<1x512x64xf32>
    tpu.vector_store %arg5[%swap3A, %swap3A_18, %swap3A_19], %swap3A_22 {strides = array<i32>} : memref<1x512x64xf32, #tpu.memory_space<vmem>>, vector<1x512x64xf32>,
    return
  }
  func.func @transform_0(%arg0: i32, %arg1: i32) -> (i32, i32, i32) {
    %c0_i32 = arith.constant 0 : i32
    %c0_i32_0 = arith.constant 0 : i32
    return %arg0, %c0_i32, %arg1 : i32, i32, i32
  }
  func.func @transform_1(%arg0: i32, %arg1: i32) -> (i32, i32, i32) {
    %c0_i32 = arith.constant 0 : i32
    %c0_i32_0 = arith.constant 0 : i32
    return %arg0, %c0_i32, %arg1 : i32, i32, i32
  }
  func.func @transform_2(%arg0: i32, %arg1: i32) -> (i32, i32) {
    %c0_i32 = arith.constant 0 : i32
    %c0_i32_0 = arith.constant 0 : i32
    %c0_i32_1 = arith.constant 0 : i32
    return %c0_i32, %c0_i32_0 : i32, i32
  }
  func.func @transform_3(%arg0: i32, %arg1: i32) -> (i32, i32, i32) {
    %c0_i32 = arith.constant 0 : i32
    %c0_i32_0 = arith.constant 0 : i32
    return %arg0, %arg1, %c0_i32 : i32, i32, i32
  }
}

module attributes {stable_mosaic.version = 14 : i64} {
  func.func @_stats1_body(%arg0: i32, %arg1: i32, %arg2: memref<1x4096x64xf32, #tpu.memory_space<vmem>>, %arg3: memref<1x3x128xf32, #tpu.memory_space<vmem>>, %arg4: memref<64x67xf32, #tpu.memory_space<vmem>>, %arg5: memref<1x128x64xf32, #tpu.memory_space<vmem>>, %arg6: memref<1x64xf32, #tpu.memory_space<vmem>>, %arg7: memref<1x64xf32, #tpu.memory_space<vmem>>) attributes {dimension_semantics = [#tpu.dimension_semantics<arbitrary>, #tpu.dimension_semantics<arbitrary>], iteration_bounds = array<i64: 8, 8>, scalar_prefetch = 0 : i64, scratch_operands = 0 : i64, tpu.core_type = #tpu.core_type<tc>, window_params = [{transform_indices = @transform_0, window_bounds = array<i64: 1, 4096, 64>}, {transform_indices = @transform_1, window_bounds = array<i64: 1, 3, 128>}, {pipeline_mode = #tpu.pipeline_mode<synchronous>, transform_indices = @transform_2, window_bounds = array<i64: 64, 67>}, {transform_indices = @transform_3, window_bounds = array<i64: 1, 128, 64>}, {pipeline_mode = #tpu.pipeline_mode<synchronous>, transform_indices = @transform_4, window_bounds = array<i64: 1, 64>}, {pipeline_mode = #tpu.pipeline_mode<synchronous>, transform_indices = @transform_5, window_bounds = array<i64: 1, 64>}]} {
    %get3A = arith.constant 0 : index
    %get3A_0 = arith.constant 0 : index
    %get3A_1 = vector.load %arg4[%get3A, %get3A_0] : memref<64x67xf32, #tpu.memory_space<vmem>>, vector<64x3xf32>
    %get3A_2 = arith.constant 0 : index
    %get3A_3 = arith.constant 0 : index
    %get3A_4 = arith.constant 0 : index
    %get3A_5 = vector.load %arg3[%get3A_2, %get3A_3, %get3A_4] : memref<1x3x128xf32, #tpu.memory_space<vmem>>, vector<1x3x128xf32>
    %get3A_6 = vector.shape_cast %get3A_5 : vector<1x3x128xf32> to vector<3x128xf32>
    %dot_general3A = arith.constant dense<0.000000e+00> : vector<128x64xf32>
    %dot_general3A_7 = tpu.matmul %get3A_6, %get3A_1, %dot_general3A {dimension_numbers = #tpu.dot_dimension_numbers<[0], [1], [1], [0], [0, 1, 1, 0], [], []>, transpose_lhs_hint = false} : vector<3x128xf32>, vector<64x3xf32>, vector<128x64xf32> -> vector<128x64xf32>
    %swap3A = arith.constant 0 : index
    %swap3A_8 = arith.constant 0 : index
    %swap3A_9 = arith.constant 0 : index
    %swap3A_10 = vector.load %arg5[%swap3A, %swap3A_8, %swap3A_9] : memref<1x128x64xf32, #tpu.memory_space<vmem>>, vector<1x128x64xf32>
    %swap3A_11 = vector.shape_cast %swap3A_10 : vector<1x128x64xf32> to vector<128x64xf32>
    %swap3A_12 = vector.shape_cast %dot_general3A_7 : vector<128x64xf32> to vector<1x128x64xf32>
    tpu.vector_store %arg5[%swap3A, %swap3A_8, %swap3A_9], %swap3A_12 {strides = array<i32>} : memref<1x128x64xf32, #tpu.memory_space<vmem>>, vector<1x128x64xf32>,
    %get3A_13 = arith.constant 0 : index
    %get3A_14 = arith.constant 0 : index
    %get3A_15 = arith.constant 0 : index
    %get3A_16 = vector.load %arg2[%get3A_13, %get3A_14, %get3A_15] : memref<1x4096x64xf32, #tpu.memory_space<vmem>>, vector<1x4096x64xf32>
    %get3A_17 = vector.shape_cast %get3A_16 : vector<1x4096x64xf32> to vector<4096x64xf32>
    %reshape3A = vector.shape_cast %get3A_17 : vector<4096x64xf32> to vector<128x32x64xf32>
    %broadcast_in_dim3A = vector.shape_cast %dot_general3A_7 : vector<128x64xf32> to vector<128x1x64xf32>
    %sub3A = vector.broadcast %broadcast_in_dim3A : vector<128x1x64xf32> to vector<128x32x64xf32>
    %sub3A_18 = arith.subf %reshape3A, %sub3A : vector<128x32x64xf32>
    %reshape3A_19 = vector.shape_cast %sub3A_18 : vector<128x32x64xf32> to vector<4096x64xf32>
    %eq3A = arith.constant 0 : i32
    %eq3A_20 = arith.cmpi eq, %arg0, %eq3A : i32
    %eq3A_21 = arith.constant 0 : i32
    %eq3A_22 = arith.cmpi eq, %arg1, %eq3A_21 : i32
    %and3A = arith.andi %eq3A_20, %eq3A_22 : i1
    %reduce_sum3A = arith.constant dense<0.000000e+00> : vector<64xf32>
    %reduce_sum3A_23 = vector.multi_reduction <add>, %reshape3A_19, %reduce_sum3A [0] : vector<4096x64xf32> to vector<64xf32>
    %reshape3A_24 = vector.shape_cast %reduce_sum3A_23 : vector<64xf32> to vector<1x64xf32>
    %mul3A = arith.mulf %reshape3A_19, %reshape3A_19 : vector<4096x64xf32>
    %reduce_sum3A_25 = arith.constant dense<0.000000e+00> : vector<64xf32>
    %reduce_sum3A_26 = vector.multi_reduction <add>, %mul3A, %reduce_sum3A_25 [0] : vector<4096x64xf32> to vector<64xf32>
    %reshape3A_27 = vector.shape_cast %reduce_sum3A_26 : vector<64xf32> to vector<1x64xf32>
    %convert_element_type3A = arith.extui %and3A : i1 to i32
    %cond3A = arith.constant 0 : i32
    %cond3A_28 = arith.cmpi ne, %convert_element_type3A, %cond3A : i32
    scf.if %cond3A_28 {
      %broadcast_in_dim3A_42 = arith.constant 0.000000e+00 : f32
      %broadcast_in_dim3A_43 = vector.broadcast %broadcast_in_dim3A_42 : f32 to vector<1x64xf32>
      %swap3A_44 = arith.constant 0 : index
      %swap3A_45 = arith.constant 0 : index
      %swap3A_46 = vector.load %arg6[%swap3A_44, %swap3A_45] : memref<1x64xf32, #tpu.memory_space<vmem>>, vector<1x64xf32>
      tpu.vector_store %arg6[%swap3A_44, %swap3A_45], %broadcast_in_dim3A_43 {strides = array<i32>} : memref<1x64xf32, #tpu.memory_space<vmem>>, vector<1x64xf32>,
      %broadcast_in_dim3A_47 = arith.constant 0.000000e+00 : f32
      %broadcast_in_dim3A_48 = vector.broadcast %broadcast_in_dim3A_47 : f32 to vector<1x64xf32>
      %swap3A_49 = arith.constant 0 : index
      %swap3A_50 = arith.constant 0 : index
      %swap3A_51 = vector.load %arg7[%swap3A_49, %swap3A_50] : memref<1x64xf32, #tpu.memory_space<vmem>>, vector<1x64xf32>
      tpu.vector_store %arg7[%swap3A_49, %swap3A_50], %broadcast_in_dim3A_48 {strides = array<i32>} : memref<1x64xf32, #tpu.memory_space<vmem>>, vector<1x64xf32>,
    } else {
    }
    %get3A_29 = arith.constant 0 : index
    %get3A_30 = arith.constant 0 : index
    %get3A_31 = vector.load %arg6[%get3A_29, %get3A_30] : memref<1x64xf32, #tpu.memory_space<vmem>>, vector<1x64xf32>
    %add3A = arith.addf %get3A_31, %reshape3A_24 : vector<1x64xf32>
    %swap3A_32 = arith.constant 0 : index
    %swap3A_33 = arith.constant 0 : index
    %swap3A_34 = vector.load %arg6[%swap3A_32, %swap3A_33] : memref<1x64xf32, #tpu.memory_space<vmem>>, vector<1x64xf32>
    tpu.vector_store %arg6[%swap3A_32, %swap3A_33], %add3A {strides = array<i32>} : memref<1x64xf32, #tpu.memory_space<vmem>>, vector<1x64xf32>,
    %get3A_35 = arith.constant 0 : index
    %get3A_36 = arith.constant 0 : index
    %get3A_37 = vector.load %arg7[%get3A_35, %get3A_36] : memref<1x64xf32, #tpu.memory_space<vmem>>, vector<1x64xf32>
    %add3A_38 = arith.addf %get3A_37, %reshape3A_27 : vector<1x64xf32>
    %swap3A_39 = arith.constant 0 : index
    %swap3A_40 = arith.constant 0 : index
    %swap3A_41 = vector.load %arg7[%swap3A_39, %swap3A_40] : memref<1x64xf32, #tpu.memory_space<vmem>>, vector<1x64xf32>
    tpu.vector_store %arg7[%swap3A_39, %swap3A_40], %add3A_38 {strides = array<i32>} : memref<1x64xf32, #tpu.memory_space<vmem>>, vector<1x64xf32>,
    return
  }
  func.func @transform_0(%arg0: i32, %arg1: i32) -> (i32, i32, i32) {
    %c0_i32 = arith.constant 0 : i32
    %c0_i32_0 = arith.constant 0 : i32
    return %arg0, %arg1, %c0_i32 : i32, i32, i32
  }
  func.func @transform_1(%arg0: i32, %arg1: i32) -> (i32, i32, i32) {
    %c0_i32 = arith.constant 0 : i32
    %c0_i32_0 = arith.constant 0 : i32
    return %arg0, %c0_i32, %arg1 : i32, i32, i32
  }
  func.func @transform_2(%arg0: i32, %arg1: i32) -> (i32, i32) {
    %c0_i32 = arith.constant 0 : i32
    %c0_i32_0 = arith.constant 0 : i32
    %c0_i32_1 = arith.constant 0 : i32
    return %c0_i32, %c0_i32_0 : i32, i32
  }
  func.func @transform_3(%arg0: i32, %arg1: i32) -> (i32, i32, i32) {
    %c0_i32 = arith.constant 0 : i32
    %c0_i32_0 = arith.constant 0 : i32
    return %arg0, %arg1, %c0_i32 : i32, i32, i32
  }
  func.func @transform_4(%arg0: i32, %arg1: i32) -> (i32, i32) {
    %c0_i32 = arith.constant 0 : i32
    %c0_i32_0 = arith.constant 0 : i32
    %c0_i32_1 = arith.constant 0 : i32
    return %c0_i32, %c0_i32_0 : i32, i32
  }
  func.func @transform_5(%arg0: i32, %arg1: i32) -> (i32, i32) {
    %c0_i32 = arith.constant 0 : i32
    %c0_i32_0 = arith.constant 0 : i32
    %c0_i32_1 = arith.constant 0 : i32
    return %c0_i32, %c0_i32_0 : i32, i32
  }
}

module attributes {stable_mosaic.version = 14 : i64} {
  func.func @_l2s_body(%arg0: i32, %arg1: i32, %arg2: memref<1x1024x64xf32, #tpu.memory_space<vmem>>, %arg3: memref<1x32x64xf32, #tpu.memory_space<vmem>>, %arg4: memref<1x64xf32, #tpu.memory_space<vmem>>, %arg5: memref<1x64xf32, #tpu.memory_space<vmem>>, %arg6: memref<1x64xf32, #tpu.memory_space<vmem>>, %arg7: memref<1x64xf32, #tpu.memory_space<vmem>>, %arg8: memref<128x64xf32, #tpu.memory_space<vmem>>, %arg9: memref<1x128xf32, #tpu.memory_space<vmem>>, %arg10: memref<1x128xf32, #tpu.memory_space<vmem>>) attributes {dimension_semantics = [#tpu.dimension_semantics<arbitrary>, #tpu.dimension_semantics<arbitrary>], iteration_bounds = array<i64: 8, 32>, scalar_prefetch = 0 : i64, scratch_operands = 0 : i64, tpu.core_type = #tpu.core_type<tc>, window_params = [{transform_indices = @transform_0, window_bounds = array<i64: 1, 1024, 64>}, {transform_indices = @transform_1, window_bounds = array<i64: 1, 32, 64>}, {pipeline_mode = #tpu.pipeline_mode<synchronous>, transform_indices = @transform_2, window_bounds = array<i64: 1, 64>}, {pipeline_mode = #tpu.pipeline_mode<synchronous>, transform_indices = @transform_3, window_bounds = array<i64: 1, 64>}, {pipeline_mode = #tpu.pipeline_mode<synchronous>, transform_indices = @transform_4, window_bounds = array<i64: 1, 64>}, {pipeline_mode = #tpu.pipeline_mode<synchronous>, transform_indices = @transform_5, window_bounds = array<i64: 1, 64>}, {pipeline_mode = #tpu.pipeline_mode<synchronous>, transform_indices = @transform_6, window_bounds = array<i64: 128, 64>}, {pipeline_mode = #tpu.pipeline_mode<synchronous>, transform_indices = @transform_7, window_bounds = array<i64: 1, 128>}, {pipeline_mode = #tpu.pipeline_mode<synchronous>, transform_indices = @transform_8, window_bounds = array<i64: 1, 128>}]} {
    %get3A = arith.constant 0 : index
    %get3A_0 = arith.constant 0 : index
    %get3A_1 = vector.load %arg4[%get3A, %get3A_0] : memref<1x64xf32, #tpu.memory_space<vmem>>, vector<1x64xf32>
    %div3A = arith.constant 2.621440e+05 : f32
    %div3A_2 = vector.broadcast %div3A : f32 to vector<1x64xf32>
    %div3A_3 = arith.divf %get3A_1, %div3A_2 : vector<1x64xf32>
    %get3A_4 = arith.constant 0 : index
    %get3A_5 = arith.constant 0 : index
    %get3A_6 = vector.load %arg5[%get3A_4, %get3A_5] : memref<1x64xf32, #tpu.memory_space<vmem>>, vector<1x64xf32>
    %div3A_7 = arith.constant 2.621440e+05 : f32
    %div3A_8 = vector.broadcast %div3A_7 : f32 to vector<1x64xf32>
    %div3A_9 = arith.divf %get3A_6, %div3A_8 : vector<1x64xf32>
    %mul3A = arith.mulf %div3A_3, %div3A_3 : vector<1x64xf32>
    %sub3A = arith.subf %div3A_9, %mul3A : vector<1x64xf32>
    %get3A_10 = arith.constant 0 : index
    %get3A_11 = arith.constant 0 : index
    %get3A_12 = vector.load %arg6[%get3A_10, %get3A_11] : memref<1x64xf32, #tpu.memory_space<vmem>>, vector<1x64xf32>
    %add3A = arith.constant 9.99999974E-6 : f32
    %add3A_13 = vector.broadcast %add3A : f32 to vector<1x64xf32>
    %add3A_14 = arith.addf %sub3A, %add3A_13 : vector<1x64xf32>
    %sqrt3A = math.sqrt %add3A_14 : vector<1x64xf32>
    %div3A_15 = arith.divf %get3A_12, %sqrt3A : vector<1x64xf32>
    %get3A_16 = arith.constant 0 : index
    %get3A_17 = arith.constant 0 : index
    %get3A_18 = vector.load %arg7[%get3A_16, %get3A_17] : memref<1x64xf32, #tpu.memory_space<vmem>>, vector<1x64xf32>
    %mul3A_19 = arith.mulf %div3A_3, %div3A_15 : vector<1x64xf32>
    %sub3A_20 = arith.subf %get3A_18, %mul3A_19 : vector<1x64xf32>
    %get3A_21 = arith.constant 0 : index
    %get3A_22 = arith.constant 0 : index
    %get3A_23 = arith.constant 0 : index
    %get3A_24 = vector.load %arg3[%get3A_21, %get3A_22, %get3A_23] : memref<1x32x64xf32, #tpu.memory_space<vmem>>, vector<1x32x64xf32>
    %get3A_25 = vector.shape_cast %get3A_24 : vector<1x32x64xf32> to vector<32x64xf32>
    %get3A_26 = arith.constant 0 : index
    %get3A_27 = arith.constant 0 : index
    %get3A_28 = arith.constant 0 : index
    %get3A_29 = vector.load %arg2[%get3A_26, %get3A_27, %get3A_28] : memref<1x1024x64xf32, #tpu.memory_space<vmem>>, vector<1x1024x64xf32>
    %get3A_30 = vector.shape_cast %get3A_29 : vector<1x1024x64xf32> to vector<1024x64xf32>
    %reshape3A = vector.shape_cast %get3A_30 : vector<1024x64xf32> to vector<32x32x64xf32>
    %broadcast_in_dim3A = vector.shape_cast %get3A_25 : vector<32x64xf32> to vector<32x1x64xf32>
    %sub3A_31 = vector.broadcast %broadcast_in_dim3A : vector<32x1x64xf32> to vector<32x32x64xf32>
    %sub3A_32 = arith.subf %reshape3A, %sub3A_31 : vector<32x32x64xf32>
    %reshape3A_33 = vector.shape_cast %div3A_15 : vector<1x64xf32> to vector<1x1x64xf32>
    %mul3A_34 = vector.broadcast %reshape3A_33 : vector<1x1x64xf32> to vector<32x32x64xf32>
    %mul3A_35 = arith.mulf %sub3A_32, %mul3A_34 : vector<32x32x64xf32>
    %reshape3A_36 = vector.shape_cast %sub3A_20 : vector<1x64xf32> to vector<1x1x64xf32>
    %add3A_37 = vector.broadcast %reshape3A_36 : vector<1x1x64xf32> to vector<32x32x64xf32>
    %add3A_38 = arith.addf %mul3A_35, %add3A_37 : vector<32x32x64xf32>
    %max3A = arith.constant 0.000000e+00 : f32
    %max3A_39 = vector.broadcast %max3A : f32 to vector<32x32x64xf32>
    %max3A_40 = arith.maximumf %add3A_38, %max3A_39 : vector<32x32x64xf32>
    %reshape3A_41 = vector.shape_cast %max3A_40 : vector<32x32x64xf32> to vector<1024x64xf32>
    %get3A_42 = arith.constant 0 : index
    %get3A_43 = arith.constant 0 : index
    %get3A_44 = vector.load %arg8[%get3A_42, %get3A_43] : memref<128x64xf32, #tpu.memory_space<vmem>>, vector<128x64xf32>
    %dot_general3A = arith.constant dense<0.000000e+00> : vector<1024x128xf32>
    %dot_general3A_45 = tpu.matmul %reshape3A_41, %get3A_44, %dot_general3A {dimension_numbers = #tpu.dot_dimension_numbers<[1], [1], [0], [0], [0, 0, 1, 0], [], []>, transpose_lhs_hint = false} : vector<1024x64xf32>, vector<128x64xf32>, vector<1024x128xf32> -> vector<1024x128xf32>
    %eq3A = arith.constant 0 : i32
    %eq3A_46 = arith.cmpi eq, %arg0, %eq3A : i32
    %eq3A_47 = arith.constant 0 : i32
    %eq3A_48 = arith.cmpi eq, %arg1, %eq3A_47 : i32
    %and3A = arith.andi %eq3A_46, %eq3A_48 : i1
    %reduce_sum3A = arith.constant dense<0.000000e+00> : vector<128xf32>
    %reduce_sum3A_49 = vector.multi_reduction <add>, %dot_general3A_45, %reduce_sum3A [0] : vector<1024x128xf32> to vector<128xf32>
    %reshape3A_50 = vector.shape_cast %reduce_sum3A_49 : vector<128xf32> to vector<1x128xf32>
    %mul3A_51 = arith.mulf %dot_general3A_45, %dot_general3A_45 : vector<1024x128xf32>
    %reduce_sum3A_52 = arith.constant dense<0.000000e+00> : vector<128xf32>
    %reduce_sum3A_53 = vector.multi_reduction <add>, %mul3A_51, %reduce_sum3A_52 [0] : vector<1024x128xf32> to vector<128xf32>
    %reshape3A_54 = vector.shape_cast %reduce_sum3A_53 : vector<128xf32> to vector<1x128xf32>
    %convert_element_type3A = arith.extui %and3A : i1 to i32
    %cond3A = arith.constant 0 : i32
    %cond3A_55 = arith.cmpi ne, %convert_element_type3A, %cond3A : i32
    scf.if %cond3A_55 {
      %broadcast_in_dim3A_69 = arith.constant 0.000000e+00 : f32
      %broadcast_in_dim3A_70 = vector.broadcast %broadcast_in_dim3A_69 : f32 to vector<1x128xf32>
      %swap3A_71 = arith.constant 0 : index
      %swap3A_72 = arith.constant 0 : index
      %swap3A_73 = vector.load %arg9[%swap3A_71, %swap3A_72] : memref<1x128xf32, #tpu.memory_space<vmem>>, vector<1x128xf32>
      tpu.vector_store %arg9[%swap3A_71, %swap3A_72], %broadcast_in_dim3A_70 {strides = array<i32>} : memref<1x128xf32, #tpu.memory_space<vmem>>, vector<1x128xf32>,
      %broadcast_in_dim3A_74 = arith.constant 0.000000e+00 : f32
      %broadcast_in_dim3A_75 = vector.broadcast %broadcast_in_dim3A_74 : f32 to vector<1x128xf32>
      %swap3A_76 = arith.constant 0 : index
      %swap3A_77 = arith.constant 0 : index
      %swap3A_78 = vector.load %arg10[%swap3A_76, %swap3A_77] : memref<1x128xf32, #tpu.memory_space<vmem>>, vector<1x128xf32>
      tpu.vector_store %arg10[%swap3A_76, %swap3A_77], %broadcast_in_dim3A_75 {strides = array<i32>} : memref<1x128xf32, #tpu.memory_space<vmem>>, vector<1x128xf32>,
    } else {
    }
    %get3A_56 = arith.constant 0 : index
    %get3A_57 = arith.constant 0 : index
    %get3A_58 = vector.load %arg9[%get3A_56, %get3A_57] : memref<1x128xf32, #tpu.memory_space<vmem>>, vector<1x128xf32>
    %add3A_59 = arith.addf %get3A_58, %reshape3A_50 : vector<1x128xf32>
    %swap3A = arith.constant 0 : index
    %swap3A_60 = arith.constant 0 : index
    %swap3A_61 = vector.load %arg9[%swap3A, %swap3A_60] : memref<1x128xf32, #tpu.memory_space<vmem>>, vector<1x128xf32>
    tpu.vector_store %arg9[%swap3A, %swap3A_60], %add3A_59 {strides = array<i32>} : memref<1x128xf32, #tpu.memory_space<vmem>>, vector<1x128xf32>,
    %get3A_62 = arith.constant 0 : index
    %get3A_63 = arith.constant 0 : index
    %get3A_64 = vector.load %arg10[%get3A_62, %get3A_63] : memref<1x128xf32, #tpu.memory_space<vmem>>, vector<1x128xf32>
    %add3A_65 = arith.addf %get3A_64, %reshape3A_54 : vector<1x128xf32>
    %swap3A_66 = arith.constant 0 : index
    %swap3A_67 = arith.constant 0 : index
    %swap3A_68 = vector.load %arg10[%swap3A_66, %swap3A_67] : memref<1x128xf32, #tpu.memory_space<vmem>>, vector<1x128xf32>
    tpu.vector_store %arg10[%swap3A_66, %swap3A_67], %add3A_65 {strides = array<i32>} : memref<1x128xf32, #tpu.memory_space<vmem>>, vector<1x128xf32>,
    return
  }
  func.func @transform_0(%arg0: i32, %arg1: i32) -> (i32, i32, i32) {
    %c0_i32 = arith.constant 0 : i32
    %c0_i32_0 = arith.constant 0 : i32
    return %arg0, %arg1, %c0_i32 : i32, i32, i32
  }
  func.func @transform_1(%arg0: i32, %arg1: i32) -> (i32, i32, i32) {
    %c0_i32 = arith.constant 0 : i32
    %c0_i32_0 = arith.constant 0 : i32
    return %arg0, %arg1, %c0_i32 : i32, i32, i32
  }
  func.func @transform_2(%arg0: i32, %arg1: i32) -> (i32, i32) {
    %c0_i32 = arith.constant 0 : i32
    %c0_i32_0 = arith.constant 0 : i32
    %c0_i32_1 = arith.constant 0 : i32
    return %c0_i32, %c0_i32_0 : i32, i32
  }
  func.func @transform_3(%arg0: i32, %arg1: i32) -> (i32, i32) {
    %c0_i32 = arith.constant 0 : i32
    %c0_i32_0 = arith.constant 0 : i32
    %c0_i32_1 = arith.constant 0 : i32
    return %c0_i32, %c0_i32_0 : i32, i32
  }
  func.func @transform_4(%arg0: i32, %arg1: i32) -> (i32, i32) {
    %c0_i32 = arith.constant 0 : i32
    %c0_i32_0 = arith.constant 0 : i32
    %c0_i32_1 = arith.constant 0 : i32
    return %c0_i32, %c0_i32_0 : i32, i32
  }
  func.func @transform_5(%arg0: i32, %arg1: i32) -> (i32, i32) {
    %c0_i32 = arith.constant 0 : i32
    %c0_i32_0 = arith.constant 0 : i32
    %c0_i32_1 = arith.constant 0 : i32
    return %c0_i32, %c0_i32_0 : i32, i32
  }
  func.func @transform_6(%arg0: i32, %arg1: i32) -> (i32, i32) {
    %c0_i32 = arith.constant 0 : i32
    %c0_i32_0 = arith.constant 0 : i32
    %c0_i32_1 = arith.constant 0 : i32
    return %c0_i32, %c0_i32_0 : i32, i32
  }
  func.func @transform_7(%arg0: i32, %arg1: i32) -> (i32, i32) {
    %c0_i32 = arith.constant 0 : i32
    %c0_i32_0 = arith.constant 0 : i32
    %c0_i32_1 = arith.constant 0 : i32
    return %c0_i32, %c0_i32_0 : i32, i32
  }
  func.func @transform_8(%arg0: i32, %arg1: i32) -> (i32, i32) {
    %c0_i32 = arith.constant 0 : i32
    %c0_i32_0 = arith.constant 0 : i32
    %c0_i32_1 = arith.constant 0 : i32
    return %c0_i32, %c0_i32_0 : i32, i32
  }
}

module attributes {stable_mosaic.version = 14 : i64} {
  func.func @_l3s_body(%arg0: i32, %arg1: i32, %arg2: memref<1x1024x64xf32, #tpu.memory_space<vmem>>, %arg3: memref<1x32x64xf32, #tpu.memory_space<vmem>>, %arg4: memref<1x64xf32, #tpu.memory_space<vmem>>, %arg5: memref<1x64xf32, #tpu.memory_space<vmem>>, %arg6: memref<1x64xf32, #tpu.memory_space<vmem>>, %arg7: memref<1x64xf32, #tpu.memory_space<vmem>>, %arg8: memref<128x64xf32, #tpu.memory_space<vmem>>, %arg9: memref<1x128xf32, #tpu.memory_space<vmem>>, %arg10: memref<1x128xf32, #tpu.memory_space<vmem>>, %arg11: memref<1x128xf32, #tpu.memory_space<vmem>>, %arg12: memref<1x128xf32, #tpu.memory_space<vmem>>, %arg13: memref<256x128xf32, #tpu.memory_space<vmem>>, %arg14: memref<1x256xf32, #tpu.memory_space<vmem>>, %arg15: memref<1x256xf32, #tpu.memory_space<vmem>>) attributes {dimension_semantics = [#tpu.dimension_semantics<arbitrary>, #tpu.dimension_semantics<arbitrary>], iteration_bounds = array<i64: 8, 32>, scalar_prefetch = 0 : i64, scratch_operands = 0 : i64, tpu.core_type = #tpu.core_type<tc>, window_params = [{transform_indices = @transform_0, window_bounds = array<i64: 1, 1024, 64>}, {transform_indices = @transform_1, window_bounds = array<i64: 1, 32, 64>}, {pipeline_mode = #tpu.pipeline_mode<synchronous>, transform_indices = @transform_2, window_bounds = array<i64: 1, 64>}, {pipeline_mode = #tpu.pipeline_mode<synchronous>, transform_indices = @transform_3, window_bounds = array<i64: 1, 64>}, {pipeline_mode = #tpu.pipeline_mode<synchronous>, transform_indices = @transform_4, window_bounds = array<i64: 1, 64>}, {pipeline_mode = #tpu.pipeline_mode<synchronous>, transform_indices = @transform_5, window_bounds = array<i64: 1, 64>}, {pipeline_mode = #tpu.pipeline_mode<synchronous>, transform_indices = @transform_6, window_bounds = array<i64: 128, 64>}, {pipeline_mode = #tpu.pipeline_mode<synchronous>, transform_indices = @transform_7, window_bounds = array<i64: 1, 128>}, {pipeline_mode = #tpu.pipeline_mode<synchronous>, transform_indices = @transform_8, window_bounds = array<i64: 1, 128>}, {pipeline_mode = #tpu.pipeline_mode<synchronous>, transform_indices = @transform_9, window_bounds = array<i64: 1, 128>}, {pipeline_mode = #tpu.pipeline_mode<synchronous>, transform_indices = @transform_10, window_bounds = array<i64: 1, 128>}, {pipeline_mode = #tpu.pipeline_mode<synchronous>, transform_indices = @transform_11, window_bounds = array<i64: 256, 128>}, {pipeline_mode = #tpu.pipeline_mode<synchronous>, transform_indices = @transform_12, window_bounds = array<i64: 1, 256>}, {pipeline_mode = #tpu.pipeline_mode<synchronous>, transform_indices = @transform_13, window_bounds = array<i64: 1, 256>}]} {
    %get3A = arith.constant 0 : index
    %get3A_0 = arith.constant 0 : index
    %get3A_1 = vector.load %arg4[%get3A, %get3A_0] : memref<1x64xf32, #tpu.memory_space<vmem>>, vector<1x64xf32>
    %div3A = arith.constant 2.621440e+05 : f32
    %div3A_2 = vector.broadcast %div3A : f32 to vector<1x64xf32>
    %div3A_3 = arith.divf %get3A_1, %div3A_2 : vector<1x64xf32>
    %get3A_4 = arith.constant 0 : index
    %get3A_5 = arith.constant 0 : index
    %get3A_6 = vector.load %arg5[%get3A_4, %get3A_5] : memref<1x64xf32, #tpu.memory_space<vmem>>, vector<1x64xf32>
    %div3A_7 = arith.constant 2.621440e+05 : f32
    %div3A_8 = vector.broadcast %div3A_7 : f32 to vector<1x64xf32>
    %div3A_9 = arith.divf %get3A_6, %div3A_8 : vector<1x64xf32>
    %mul3A = arith.mulf %div3A_3, %div3A_3 : vector<1x64xf32>
    %sub3A = arith.subf %div3A_9, %mul3A : vector<1x64xf32>
    %get3A_10 = arith.constant 0 : index
    %get3A_11 = arith.constant 0 : index
    %get3A_12 = vector.load %arg6[%get3A_10, %get3A_11] : memref<1x64xf32, #tpu.memory_space<vmem>>, vector<1x64xf32>
    %add3A = arith.constant 9.99999974E-6 : f32
    %add3A_13 = vector.broadcast %add3A : f32 to vector<1x64xf32>
    %add3A_14 = arith.addf %sub3A, %add3A_13 : vector<1x64xf32>
    %sqrt3A = math.sqrt %add3A_14 : vector<1x64xf32>
    %div3A_15 = arith.divf %get3A_12, %sqrt3A : vector<1x64xf32>
    %get3A_16 = arith.constant 0 : index
    %get3A_17 = arith.constant 0 : index
    %get3A_18 = vector.load %arg7[%get3A_16, %get3A_17] : memref<1x64xf32, #tpu.memory_space<vmem>>, vector<1x64xf32>
    %mul3A_19 = arith.mulf %div3A_3, %div3A_15 : vector<1x64xf32>
    %sub3A_20 = arith.subf %get3A_18, %mul3A_19 : vector<1x64xf32>
    %get3A_21 = arith.constant 0 : index
    %get3A_22 = arith.constant 0 : index
    %get3A_23 = arith.constant 0 : index
    %get3A_24 = vector.load %arg3[%get3A_21, %get3A_22, %get3A_23] : memref<1x32x64xf32, #tpu.memory_space<vmem>>, vector<1x32x64xf32>
    %get3A_25 = vector.shape_cast %get3A_24 : vector<1x32x64xf32> to vector<32x64xf32>
    %get3A_26 = arith.constant 0 : index
    %get3A_27 = arith.constant 0 : index
    %get3A_28 = arith.constant 0 : index
    %get3A_29 = vector.load %arg2[%get3A_26, %get3A_27, %get3A_28] : memref<1x1024x64xf32, #tpu.memory_space<vmem>>, vector<1x1024x64xf32>
    %get3A_30 = vector.shape_cast %get3A_29 : vector<1x1024x64xf32> to vector<1024x64xf32>
    %reshape3A = vector.shape_cast %get3A_30 : vector<1024x64xf32> to vector<32x32x64xf32>
    %broadcast_in_dim3A = vector.shape_cast %get3A_25 : vector<32x64xf32> to vector<32x1x64xf32>
    %sub3A_31 = vector.broadcast %broadcast_in_dim3A : vector<32x1x64xf32> to vector<32x32x64xf32>
    %sub3A_32 = arith.subf %reshape3A, %sub3A_31 : vector<32x32x64xf32>
    %reshape3A_33 = vector.shape_cast %div3A_15 : vector<1x64xf32> to vector<1x1x64xf32>
    %mul3A_34 = vector.broadcast %reshape3A_33 : vector<1x1x64xf32> to vector<32x32x64xf32>
    %mul3A_35 = arith.mulf %sub3A_32, %mul3A_34 : vector<32x32x64xf32>
    %reshape3A_36 = vector.shape_cast %sub3A_20 : vector<1x64xf32> to vector<1x1x64xf32>
    %add3A_37 = vector.broadcast %reshape3A_36 : vector<1x1x64xf32> to vector<32x32x64xf32>
    %add3A_38 = arith.addf %mul3A_35, %add3A_37 : vector<32x32x64xf32>
    %max3A = arith.constant 0.000000e+00 : f32
    %max3A_39 = vector.broadcast %max3A : f32 to vector<32x32x64xf32>
    %max3A_40 = arith.maximumf %add3A_38, %max3A_39 : vector<32x32x64xf32>
    %reshape3A_41 = vector.shape_cast %max3A_40 : vector<32x32x64xf32> to vector<1024x64xf32>
    %get3A_42 = arith.constant 0 : index
    %get3A_43 = arith.constant 0 : index
    %get3A_44 = vector.load %arg8[%get3A_42, %get3A_43] : memref<128x64xf32, #tpu.memory_space<vmem>>, vector<128x64xf32>
    %dot_general3A = arith.constant dense<0.000000e+00> : vector<1024x128xf32>
    %dot_general3A_45 = tpu.matmul %reshape3A_41, %get3A_44, %dot_general3A {dimension_numbers = #tpu.dot_dimension_numbers<[1], [1], [0], [0], [0, 0, 1, 0], [], []>, transpose_lhs_hint = false} : vector<1024x64xf32>, vector<128x64xf32>, vector<1024x128xf32> -> vector<1024x128xf32>
    %get3A_46 = arith.constant 0 : index
    %get3A_47 = arith.constant 0 : index
    %get3A_48 = vector.load %arg9[%get3A_46, %get3A_47] : memref<1x128xf32, #tpu.memory_space<vmem>>, vector<1x128xf32>
    %div3A_49 = arith.constant 2.621440e+05 : f32
    %div3A_50 = vector.broadcast %div3A_49 : f32 to vector<1x128xf32>
    %div3A_51 = arith.divf %get3A_48, %div3A_50 : vector<1x128xf32>
    %get3A_52 = arith.constant 0 : index
    %get3A_53 = arith.constant 0 : index
    %get3A_54 = vector.load %arg10[%get3A_52, %get3A_53] : memref<1x128xf32, #tpu.memory_space<vmem>>, vector<1x128xf32>
    %div3A_55 = arith.constant 2.621440e+05 : f32
    %div3A_56 = vector.broadcast %div3A_55 : f32 to vector<1x128xf32>
    %div3A_57 = arith.divf %get3A_54, %div3A_56 : vector<1x128xf32>
    %mul3A_58 = arith.mulf %div3A_51, %div3A_51 : vector<1x128xf32>
    %sub3A_59 = arith.subf %div3A_57, %mul3A_58 : vector<1x128xf32>
    %get3A_60 = arith.constant 0 : index
    %get3A_61 = arith.constant 0 : index
    %get3A_62 = vector.load %arg11[%get3A_60, %get3A_61] : memref<1x128xf32, #tpu.memory_space<vmem>>, vector<1x128xf32>
    %add3A_63 = arith.constant 9.99999974E-6 : f32
    %add3A_64 = vector.broadcast %add3A_63 : f32 to vector<1x128xf32>
    %add3A_65 = arith.addf %sub3A_59, %add3A_64 : vector<1x128xf32>
    %sqrt3A_66 = math.sqrt %add3A_65 : vector<1x128xf32>
    %div3A_67 = arith.divf %get3A_62, %sqrt3A_66 : vector<1x128xf32>
    %get3A_68 = arith.constant 0 : index
    %get3A_69 = arith.constant 0 : index
    %get3A_70 = vector.load %arg12[%get3A_68, %get3A_69] : memref<1x128xf32, #tpu.memory_space<vmem>>, vector<1x128xf32>
    %mul3A_71 = arith.mulf %div3A_51, %div3A_67 : vector<1x128xf32>
    %sub3A_72 = arith.subf %get3A_70, %mul3A_71 : vector<1x128xf32>
    %mul3A_73 = vector.broadcast %div3A_67 : vector<1x128xf32> to vector<1024x128xf32>
    %mul3A_74 = arith.mulf %dot_general3A_45, %mul3A_73 : vector<1024x128xf32>
    %add3A_75 = vector.broadcast %sub3A_72 : vector<1x128xf32> to vector<1024x128xf32>
    %add3A_76 = arith.addf %mul3A_74, %add3A_75 : vector<1024x128xf32>
    %max3A_77 = arith.constant 0.000000e+00 : f32
    %max3A_78 = vector.broadcast %max3A_77 : f32 to vector<1024x128xf32>
    %max3A_79 = arith.maximumf %add3A_76, %max3A_78 : vector<1024x128xf32>
    %get3A_80 = arith.constant 0 : index
    %get3A_81 = arith.constant 0 : index
    %get3A_82 = vector.load %arg13[%get3A_80, %get3A_81] : memref<256x128xf32, #tpu.memory_space<vmem>>, vector<256x128xf32>
    %dot_general3A_83 = arith.constant dense<0.000000e+00> : vector<1024x256xf32>
    %dot_general3A_84 = tpu.matmul %max3A_79, %get3A_82, %dot_general3A_83 {dimension_numbers = #tpu.dot_dimension_numbers<[1], [1], [0], [0], [0, 0, 1, 0], [], []>, transpose_lhs_hint = false} : vector<1024x128xf32>, vector<256x128xf32>, vector<1024x256xf32> -> vector<1024x256xf32>
    %eq3A = arith.constant 0 : i32
    %eq3A_85 = arith.cmpi eq, %arg0, %eq3A : i32
    %eq3A_86 = arith.constant 0 : i32
    %eq3A_87 = arith.cmpi eq, %arg1, %eq3A_86 : i32
    %and3A = arith.andi %eq3A_85, %eq3A_87 : i1
    %reduce_sum3A = arith.constant dense<0.000000e+00> : vector<256xf32>
    %reduce_sum3A_88 = vector.multi_reduction <add>, %dot_general3A_84, %reduce_sum3A [0] : vector<1024x256xf32> to vector<256xf32>
    %reshape3A_89 = vector.shape_cast %reduce_sum3A_88 : vector<256xf32> to vector<1x256xf32>
    %mul3A_90 = arith.mulf %dot_general3A_84, %dot_general3A_84 : vector<1024x256xf32>
    %reduce_sum3A_91 = arith.constant dense<0.000000e+00> : vector<256xf32>
    %reduce_sum3A_92 = vector.multi_reduction <add>, %mul3A_90, %reduce_sum3A_91 [0] : vector<1024x256xf32> to vector<256xf32>
    %reshape3A_93 = vector.shape_cast %reduce_sum3A_92 : vector<256xf32> to vector<1x256xf32>
    %convert_element_type3A = arith.extui %and3A : i1 to i32
    %cond3A = arith.constant 0 : i32
    %cond3A_94 = arith.cmpi ne, %convert_element_type3A, %cond3A : i32
    scf.if %cond3A_94 {
      %broadcast_in_dim3A_108 = arith.constant 0.000000e+00 : f32
      %broadcast_in_dim3A_109 = vector.broadcast %broadcast_in_dim3A_108 : f32 to vector<1x256xf32>
      %swap3A_110 = arith.constant 0 : index
      %swap3A_111 = arith.constant 0 : index
      %swap3A_112 = vector.load %arg14[%swap3A_110, %swap3A_111] : memref<1x256xf32, #tpu.memory_space<vmem>>, vector<1x256xf32>
      tpu.vector_store %arg14[%swap3A_110, %swap3A_111], %broadcast_in_dim3A_109 {strides = array<i32>} : memref<1x256xf32, #tpu.memory_space<vmem>>, vector<1x256xf32>,
      %broadcast_in_dim3A_113 = arith.constant 0.000000e+00 : f32
      %broadcast_in_dim3A_114 = vector.broadcast %broadcast_in_dim3A_113 : f32 to vector<1x256xf32>
      %swap3A_115 = arith.constant 0 : index
      %swap3A_116 = arith.constant 0 : index
      %swap3A_117 = vector.load %arg15[%swap3A_115, %swap3A_116] : memref<1x256xf32, #tpu.memory_space<vmem>>, vector<1x256xf32>
      tpu.vector_store %arg15[%swap3A_115, %swap3A_116], %broadcast_in_dim3A_114 {strides = array<i32>} : memref<1x256xf32, #tpu.memory_space<vmem>>, vector<1x256xf32>,
    } else {
    }
    %get3A_95 = arith.constant 0 : index
    %get3A_96 = arith.constant 0 : index
    %get3A_97 = vector.load %arg14[%get3A_95, %get3A_96] : memref<1x256xf32, #tpu.memory_space<vmem>>, vector<1x256xf32>
    %add3A_98 = arith.addf %get3A_97, %reshape3A_89 : vector<1x256xf32>
    %swap3A = arith.constant 0 : index
    %swap3A_99 = arith.constant 0 : index
    %swap3A_100 = vector.load %arg14[%swap3A, %swap3A_99] : memref<1x256xf32, #tpu.memory_space<vmem>>, vector<1x256xf32>
    tpu.vector_store %arg14[%swap3A, %swap3A_99], %add3A_98 {strides = array<i32>} : memref<1x256xf32, #tpu.memory_space<vmem>>, vector<1x256xf32>,
    %get3A_101 = arith.constant 0 : index
    %get3A_102 = arith.constant 0 : index
    %get3A_103 = vector.load %arg15[%get3A_101, %get3A_102] : memref<1x256xf32, #tpu.memory_space<vmem>>, vector<1x256xf32>
    %add3A_104 = arith.addf %get3A_103, %reshape3A_93 : vector<1x256xf32>
    %swap3A_105 = arith.constant 0 : index
    %swap3A_106 = arith.constant 0 : index
    %swap3A_107 = vector.load %arg15[%swap3A_105, %swap3A_106] : memref<1x256xf32, #tpu.memory_space<vmem>>, vector<1x256xf32>
    tpu.vector_store %arg15[%swap3A_105, %swap3A_106], %add3A_104 {strides = array<i32>} : memref<1x256xf32, #tpu.memory_space<vmem>>, vector<1x256xf32>,
    return
  }
  func.func @transform_0(%arg0: i32, %arg1: i32) -> (i32, i32, i32) {
    %c0_i32 = arith.constant 0 : i32
    %c0_i32_0 = arith.constant 0 : i32
    return %arg0, %arg1, %c0_i32 : i32, i32, i32
  }
  func.func @transform_1(%arg0: i32, %arg1: i32) -> (i32, i32, i32) {
    %c0_i32 = arith.constant 0 : i32
    %c0_i32_0 = arith.constant 0 : i32
    return %arg0, %arg1, %c0_i32 : i32, i32, i32
  }
  func.func @transform_2(%arg0: i32, %arg1: i32) -> (i32, i32) {
    %c0_i32 = arith.constant 0 : i32
    %c0_i32_0 = arith.constant 0 : i32
    %c0_i32_1 = arith.constant 0 : i32
    return %c0_i32, %c0_i32_0 : i32, i32
  }
  func.func @transform_3(%arg0: i32, %arg1: i32) -> (i32, i32) {
    %c0_i32 = arith.constant 0 : i32
    %c0_i32_0 = arith.constant 0 : i32
    %c0_i32_1 = arith.constant 0 : i32
    return %c0_i32, %c0_i32_0 : i32, i32
  }
  func.func @transform_4(%arg0: i32, %arg1: i32) -> (i32, i32) {
    %c0_i32 = arith.constant 0 : i32
    %c0_i32_0 = arith.constant 0 : i32
    %c0_i32_1 = arith.constant 0 : i32
    return %c0_i32, %c0_i32_0 : i32, i32
  }
  func.func @transform_5(%arg0: i32, %arg1: i32) -> (i32, i32) {
    %c0_i32 = arith.constant 0 : i32
    %c0_i32_0 = arith.constant 0 : i32
    %c0_i32_1 = arith.constant 0 : i32
    return %c0_i32, %c0_i32_0 : i32, i32
  }
  func.func @transform_6(%arg0: i32, %arg1: i32) -> (i32, i32) {
    %c0_i32 = arith.constant 0 : i32
    %c0_i32_0 = arith.constant 0 : i32
    %c0_i32_1 = arith.constant 0 : i32
    return %c0_i32, %c0_i32_0 : i32, i32
  }
  func.func @transform_7(%arg0: i32, %arg1: i32) -> (i32, i32) {
    %c0_i32 = arith.constant 0 : i32
    %c0_i32_0 = arith.constant 0 : i32
    %c0_i32_1 = arith.constant 0 : i32
    return %c0_i32, %c0_i32_0 : i32, i32
  }
  func.func @transform_8(%arg0: i32, %arg1: i32) -> (i32, i32) {
    %c0_i32 = arith.constant 0 : i32
    %c0_i32_0 = arith.constant 0 : i32
    %c0_i32_1 = arith.constant 0 : i32
    return %c0_i32, %c0_i32_0 : i32, i32
  }
  func.func @transform_9(%arg0: i32, %arg1: i32) -> (i32, i32) {
    %c0_i32 = arith.constant 0 : i32
    %c0_i32_0 = arith.constant 0 : i32
    %c0_i32_1 = arith.constant 0 : i32
    return %c0_i32, %c0_i32_0 : i32, i32
  }
  func.func @transform_10(%arg0: i32, %arg1: i32) -> (i32, i32) {
    %c0_i32 = arith.constant 0 : i32
    %c0_i32_0 = arith.constant 0 : i32
    %c0_i32_1 = arith.constant 0 : i32
    return %c0_i32, %c0_i32_0 : i32, i32
  }
  func.func @transform_11(%arg0: i32, %arg1: i32) -> (i32, i32) {
    %c0_i32 = arith.constant 0 : i32
    %c0_i32_0 = arith.constant 0 : i32
    %c0_i32_1 = arith.constant 0 : i32
    return %c0_i32, %c0_i32_0 : i32, i32
  }
  func.func @transform_12(%arg0: i32, %arg1: i32) -> (i32, i32) {
    %c0_i32 = arith.constant 0 : i32
    %c0_i32_0 = arith.constant 0 : i32
    %c0_i32_1 = arith.constant 0 : i32
    return %c0_i32, %c0_i32_0 : i32, i32
  }
  func.func @transform_13(%arg0: i32, %arg1: i32) -> (i32, i32) {
    %c0_i32 = arith.constant 0 : i32
    %c0_i32_0 = arith.constant 0 : i32
    %c0_i32_1 = arith.constant 0 : i32
    return %c0_i32, %c0_i32_0 : i32, i32
  }
}

module attributes {stable_mosaic.version = 14 : i64} {
  func.func @_final_body(%arg0: i32, %arg1: i32, %arg2: memref<1x1024x64xf32, #tpu.memory_space<vmem>>, %arg3: memref<1x32x64xf32, #tpu.memory_space<vmem>>, %arg4: memref<1x64xf32, #tpu.memory_space<vmem>>, %arg5: memref<1x64xf32, #tpu.memory_space<vmem>>, %arg6: memref<1x64xf32, #tpu.memory_space<vmem>>, %arg7: memref<1x64xf32, #tpu.memory_space<vmem>>, %arg8: memref<128x64xf32, #tpu.memory_space<vmem>>, %arg9: memref<1x128xf32, #tpu.memory_space<vmem>>, %arg10: memref<1x128xf32, #tpu.memory_space<vmem>>, %arg11: memref<1x128xf32, #tpu.memory_space<vmem>>, %arg12: memref<1x128xf32, #tpu.memory_space<vmem>>, %arg13: memref<256x128xf32, #tpu.memory_space<vmem>>, %arg14: memref<1x256xf32, #tpu.memory_space<vmem>>, %arg15: memref<1x256xf32, #tpu.memory_space<vmem>>, %arg16: memref<1x256xf32, #tpu.memory_space<vmem>>, %arg17: memref<1x256xf32, #tpu.memory_space<vmem>>, %arg18: memref<1x32x256xf32, #tpu.memory_space<vmem>>) attributes {dimension_semantics = [#tpu.dimension_semantics<arbitrary>, #tpu.dimension_semantics<arbitrary>], iteration_bounds = array<i64: 8, 32>, scalar_prefetch = 0 : i64, scratch_operands = 0 : i64, tpu.core_type = #tpu.core_type<tc>, window_params = [{transform_indices = @transform_0, window_bounds = array<i64: 1, 1024, 64>}, {transform_indices = @transform_1, window_bounds = array<i64: 1, 32, 64>}, {pipeline_mode = #tpu.pipeline_mode<synchronous>, transform_indices = @transform_2, window_bounds = array<i64: 1, 64>}, {pipeline_mode = #tpu.pipeline_mode<synchronous>, transform_indices = @transform_3, window_bounds = array<i64: 1, 64>}, {pipeline_mode = #tpu.pipeline_mode<synchronous>, transform_indices = @transform_4, window_bounds = array<i64: 1, 64>}, {pipeline_mode = #tpu.pipeline_mode<synchronous>, transform_indices = @transform_5, window_bounds = array<i64: 1, 64>}, {pipeline_mode = #tpu.pipeline_mode<synchronous>, transform_indices = @transform_6, window_bounds = array<i64: 128, 64>}, {pipeline_mode = #tpu.pipeline_mode<synchronous>, transform_indices = @transform_7, window_bounds = array<i64: 1, 128>}, {pipeline_mode = #tpu.pipeline_mode<synchronous>, transform_indices = @transform_8, window_bounds = array<i64: 1, 128>}, {pipeline_mode = #tpu.pipeline_mode<synchronous>, transform_indices = @transform_9, window_bounds = array<i64: 1, 128>}, {pipeline_mode = #tpu.pipeline_mode<synchronous>, transform_indices = @transform_10, window_bounds = array<i64: 1, 128>}, {pipeline_mode = #tpu.pipeline_mode<synchronous>, transform_indices = @transform_11, window_bounds = array<i64: 256, 128>}, {pipeline_mode = #tpu.pipeline_mode<synchronous>, transform_indices = @transform_12, window_bounds = array<i64: 1, 256>}, {pipeline_mode = #tpu.pipeline_mode<synchronous>, transform_indices = @transform_13, window_bounds = array<i64: 1, 256>}, {pipeline_mode = #tpu.pipeline_mode<synchronous>, transform_indices = @transform_14, window_bounds = array<i64: 1, 256>}, {pipeline_mode = #tpu.pipeline_mode<synchronous>, transform_indices = @transform_15, window_bounds = array<i64: 1, 256>}, {transform_indices = @transform_16, window_bounds = array<i64: 1, 32, 256>}]} {
    %get3A = arith.constant 0 : index
    %get3A_0 = arith.constant 0 : index
    %get3A_1 = vector.load %arg4[%get3A, %get3A_0] : memref<1x64xf32, #tpu.memory_space<vmem>>, vector<1x64xf32>
    %div3A = arith.constant 2.621440e+05 : f32
    %div3A_2 = vector.broadcast %div3A : f32 to vector<1x64xf32>
    %div3A_3 = arith.divf %get3A_1, %div3A_2 : vector<1x64xf32>
    %get3A_4 = arith.constant 0 : index
    %get3A_5 = arith.constant 0 : index
    %get3A_6 = vector.load %arg5[%get3A_4, %get3A_5] : memref<1x64xf32, #tpu.memory_space<vmem>>, vector<1x64xf32>
    %div3A_7 = arith.constant 2.621440e+05 : f32
    %div3A_8 = vector.broadcast %div3A_7 : f32 to vector<1x64xf32>
    %div3A_9 = arith.divf %get3A_6, %div3A_8 : vector<1x64xf32>
    %mul3A = arith.mulf %div3A_3, %div3A_3 : vector<1x64xf32>
    %sub3A = arith.subf %div3A_9, %mul3A : vector<1x64xf32>
    %get3A_10 = arith.constant 0 : index
    %get3A_11 = arith.constant 0 : index
    %get3A_12 = vector.load %arg6[%get3A_10, %get3A_11] : memref<1x64xf32, #tpu.memory_space<vmem>>, vector<1x64xf32>
    %add3A = arith.constant 9.99999974E-6 : f32
    %add3A_13 = vector.broadcast %add3A : f32 to vector<1x64xf32>
    %add3A_14 = arith.addf %sub3A, %add3A_13 : vector<1x64xf32>
    %sqrt3A = math.sqrt %add3A_14 : vector<1x64xf32>
    %div3A_15 = arith.divf %get3A_12, %sqrt3A : vector<1x64xf32>
    %get3A_16 = arith.constant 0 : index
    %get3A_17 = arith.constant 0 : index
    %get3A_18 = vector.load %arg7[%get3A_16, %get3A_17] : memref<1x64xf32, #tpu.memory_space<vmem>>, vector<1x64xf32>
    %mul3A_19 = arith.mulf %div3A_3, %div3A_15 : vector<1x64xf32>
    %sub3A_20 = arith.subf %get3A_18, %mul3A_19 : vector<1x64xf32>
    %get3A_21 = arith.constant 0 : index
    %get3A_22 = arith.constant 0 : index
    %get3A_23 = arith.constant 0 : index
    %get3A_24 = vector.load %arg3[%get3A_21, %get3A_22, %get3A_23] : memref<1x32x64xf32, #tpu.memory_space<vmem>>, vector<1x32x64xf32>
    %get3A_25 = vector.shape_cast %get3A_24 : vector<1x32x64xf32> to vector<32x64xf32>
    %get3A_26 = arith.constant 0 : index
    %get3A_27 = arith.constant 0 : index
    %get3A_28 = arith.constant 0 : index
    %get3A_29 = vector.load %arg2[%get3A_26, %get3A_27, %get3A_28] : memref<1x1024x64xf32, #tpu.memory_space<vmem>>, vector<1x1024x64xf32>
    %get3A_30 = vector.shape_cast %get3A_29 : vector<1x1024x64xf32> to vector<1024x64xf32>
    %reshape3A = vector.shape_cast %get3A_30 : vector<1024x64xf32> to vector<32x32x64xf32>
    %broadcast_in_dim3A = vector.shape_cast %get3A_25 : vector<32x64xf32> to vector<32x1x64xf32>
    %sub3A_31 = vector.broadcast %broadcast_in_dim3A : vector<32x1x64xf32> to vector<32x32x64xf32>
    %sub3A_32 = arith.subf %reshape3A, %sub3A_31 : vector<32x32x64xf32>
    %reshape3A_33 = vector.shape_cast %div3A_15 : vector<1x64xf32> to vector<1x1x64xf32>
    %mul3A_34 = vector.broadcast %reshape3A_33 : vector<1x1x64xf32> to vector<32x32x64xf32>
    %mul3A_35 = arith.mulf %sub3A_32, %mul3A_34 : vector<32x32x64xf32>
    %reshape3A_36 = vector.shape_cast %sub3A_20 : vector<1x64xf32> to vector<1x1x64xf32>
    %add3A_37 = vector.broadcast %reshape3A_36 : vector<1x1x64xf32> to vector<32x32x64xf32>
    %add3A_38 = arith.addf %mul3A_35, %add3A_37 : vector<32x32x64xf32>
    %max3A = arith.constant 0.000000e+00 : f32
    %max3A_39 = vector.broadcast %max3A : f32 to vector<32x32x64xf32>
    %max3A_40 = arith.maximumf %add3A_38, %max3A_39 : vector<32x32x64xf32>
    %reshape3A_41 = vector.shape_cast %max3A_40 : vector<32x32x64xf32> to vector<1024x64xf32>
    %get3A_42 = arith.constant 0 : index
    %get3A_43 = arith.constant 0 : index
    %get3A_44 = vector.load %arg8[%get3A_42, %get3A_43] : memref<128x64xf32, #tpu.memory_space<vmem>>, vector<128x64xf32>
    %dot_general3A = arith.constant dense<0.000000e+00> : vector<1024x128xf32>
    %dot_general3A_45 = tpu.matmul %reshape3A_41, %get3A_44, %dot_general3A {dimension_numbers = #tpu.dot_dimension_numbers<[1], [1], [0], [0], [0, 0, 1, 0], [], []>, transpose_lhs_hint = false} : vector<1024x64xf32>, vector<128x64xf32>, vector<1024x128xf32> -> vector<1024x128xf32>
    %get3A_46 = arith.constant 0 : index
    %get3A_47 = arith.constant 0 : index
    %get3A_48 = vector.load %arg9[%get3A_46, %get3A_47] : memref<1x128xf32, #tpu.memory_space<vmem>>, vector<1x128xf32>
    %div3A_49 = arith.constant 2.621440e+05 : f32
    %div3A_50 = vector.broadcast %div3A_49 : f32 to vector<1x128xf32>
    %div3A_51 = arith.divf %get3A_48, %div3A_50 : vector<1x128xf32>
    %get3A_52 = arith.constant 0 : index
    %get3A_53 = arith.constant 0 : index
    %get3A_54 = vector.load %arg10[%get3A_52, %get3A_53] : memref<1x128xf32, #tpu.memory_space<vmem>>, vector<1x128xf32>
    %div3A_55 = arith.constant 2.621440e+05 : f32
    %div3A_56 = vector.broadcast %div3A_55 : f32 to vector<1x128xf32>
    %div3A_57 = arith.divf %get3A_54, %div3A_56 : vector<1x128xf32>
    %mul3A_58 = arith.mulf %div3A_51, %div3A_51 : vector<1x128xf32>
    %sub3A_59 = arith.subf %div3A_57, %mul3A_58 : vector<1x128xf32>
    %get3A_60 = arith.constant 0 : index
    %get3A_61 = arith.constant 0 : index
    %get3A_62 = vector.load %arg11[%get3A_60, %get3A_61] : memref<1x128xf32, #tpu.memory_space<vmem>>, vector<1x128xf32>
    %add3A_63 = arith.constant 9.99999974E-6 : f32
    %add3A_64 = vector.broadcast %add3A_63 : f32 to vector<1x128xf32>
    %add3A_65 = arith.addf %sub3A_59, %add3A_64 : vector<1x128xf32>
    %sqrt3A_66 = math.sqrt %add3A_65 : vector<1x128xf32>
    %div3A_67 = arith.divf %get3A_62, %sqrt3A_66 : vector<1x128xf32>
    %get3A_68 = arith.constant 0 : index
    %get3A_69 = arith.constant 0 : index
    %get3A_70 = vector.load %arg12[%get3A_68, %get3A_69] : memref<1x128xf32, #tpu.memory_space<vmem>>, vector<1x128xf32>
    %mul3A_71 = arith.mulf %div3A_51, %div3A_67 : vector<1x128xf32>
    %sub3A_72 = arith.subf %get3A_70, %mul3A_71 : vector<1x128xf32>
    %mul3A_73 = vector.broadcast %div3A_67 : vector<1x128xf32> to vector<1024x128xf32>
    %mul3A_74 = arith.mulf %dot_general3A_45, %mul3A_73 : vector<1024x128xf32>
    %add3A_75 = vector.broadcast %sub3A_72 : vector<1x128xf32> to vector<1024x128xf32>
    %add3A_76 = arith.addf %mul3A_74, %add3A_75 : vector<1024x128xf32>
    %max3A_77 = arith.constant 0.000000e+00 : f32
    %max3A_78 = vector.broadcast %max3A_77 : f32 to vector<1024x128xf32>
    %max3A_79 = arith.maximumf %add3A_76, %max3A_78 : vector<1024x128xf32>
    %get3A_80 = arith.constant 0 : index
    %get3A_81 = arith.constant 0 : index
    %get3A_82 = vector.load %arg13[%get3A_80, %get3A_81] : memref<256x128xf32, #tpu.memory_space<vmem>>, vector<256x128xf32>
    %dot_general3A_83 = arith.constant dense<0.000000e+00> : vector<1024x256xf32>
    %dot_general3A_84 = tpu.matmul %max3A_79, %get3A_82, %dot_general3A_83 {dimension_numbers = #tpu.dot_dimension_numbers<[1], [1], [0], [0], [0, 0, 1, 0], [], []>, transpose_lhs_hint = false} : vector<1024x128xf32>, vector<256x128xf32>, vector<1024x256xf32> -> vector<1024x256xf32>
    %get3A_85 = arith.constant 0 : index
    %get3A_86 = arith.constant 0 : index
    %get3A_87 = vector.load %arg14[%get3A_85, %get3A_86] : memref<1x256xf32, #tpu.memory_space<vmem>>, vector<1x256xf32>
    %div3A_88 = arith.constant 2.621440e+05 : f32
    %div3A_89 = vector.broadcast %div3A_88 : f32 to vector<1x256xf32>
    %div3A_90 = arith.divf %get3A_87, %div3A_89 : vector<1x256xf32>
    %get3A_91 = arith.constant 0 : index
    %get3A_92 = arith.constant 0 : index
    %get3A_93 = vector.load %arg15[%get3A_91, %get3A_92] : memref<1x256xf32, #tpu.memory_space<vmem>>, vector<1x256xf32>
    %div3A_94 = arith.constant 2.621440e+05 : f32
    %div3A_95 = vector.broadcast %div3A_94 : f32 to vector<1x256xf32>
    %div3A_96 = arith.divf %get3A_93, %div3A_95 : vector<1x256xf32>
    %mul3A_97 = arith.mulf %div3A_90, %div3A_90 : vector<1x256xf32>
    %sub3A_98 = arith.subf %div3A_96, %mul3A_97 : vector<1x256xf32>
    %get3A_99 = arith.constant 0 : index
    %get3A_100 = arith.constant 0 : index
    %get3A_101 = vector.load %arg16[%get3A_99, %get3A_100] : memref<1x256xf32, #tpu.memory_space<vmem>>, vector<1x256xf32>
    %add3A_102 = arith.constant 9.99999974E-6 : f32
    %add3A_103 = vector.broadcast %add3A_102 : f32 to vector<1x256xf32>
    %add3A_104 = arith.addf %sub3A_98, %add3A_103 : vector<1x256xf32>
    %sqrt3A_105 = math.sqrt %add3A_104 : vector<1x256xf32>
    %div3A_106 = arith.divf %get3A_101, %sqrt3A_105 : vector<1x256xf32>
    %get3A_107 = arith.constant 0 : index
    %get3A_108 = arith.constant 0 : index
    %get3A_109 = vector.load %arg17[%get3A_107, %get3A_108] : memref<1x256xf32, #tpu.memory_space<vmem>>, vector<1x256xf32>
    %mul3A_110 = arith.mulf %div3A_90, %div3A_106 : vector<1x256xf32>
    %sub3A_111 = arith.subf %get3A_109, %mul3A_110 : vector<1x256xf32>
    %mul3A_112 = vector.broadcast %div3A_106 : vector<1x256xf32> to vector<1024x256xf32>
    %mul3A_113 = arith.mulf %dot_general3A_84, %mul3A_112 : vector<1024x256xf32>
    %add3A_114 = vector.broadcast %sub3A_111 : vector<1x256xf32> to vector<1024x256xf32>
    %add3A_115 = arith.addf %mul3A_113, %add3A_114 : vector<1024x256xf32>
    %max3A_116 = arith.constant 0.000000e+00 : f32
    %max3A_117 = vector.broadcast %max3A_116 : f32 to vector<1024x256xf32>
    %max3A_118 = arith.maximumf %add3A_115, %max3A_117 : vector<1024x256xf32>
    %reshape3A_119 = vector.shape_cast %max3A_118 : vector<1024x256xf32> to vector<32x32x256xf32>
    %reduce_max3A = arith.constant dense<0xFF800000> : vector<32x256xf32>
    %reduce_max3A_120 = vector.multi_reduction <maximumf>, %reshape3A_119, %reduce_max3A [1] : vector<32x32x256xf32> to vector<32x256xf32>
    %swap3A = arith.constant 0 : index
    %swap3A_121 = arith.constant 0 : index
    %swap3A_122 = arith.constant 0 : index
    %swap3A_123 = vector.load %arg18[%swap3A, %swap3A_121, %swap3A_122] : memref<1x32x256xf32, #tpu.memory_space<vmem>>, vector<1x32x256xf32>
    %swap3A_124 = vector.shape_cast %swap3A_123 : vector<1x32x256xf32> to vector<32x256xf32>
    %swap3A_125 = vector.shape_cast %reduce_max3A_120 : vector<32x256xf32> to vector<1x32x256xf32>
    tpu.vector_store %arg18[%swap3A, %swap3A_121, %swap3A_122], %swap3A_125 {strides = array<i32>} : memref<1x32x256xf32, #tpu.memory_space<vmem>>, vector<1x32x256xf32>,
    return
  }
  func.func @transform_0(%arg0: i32, %arg1: i32) -> (i32, i32, i32) {
    %c0_i32 = arith.constant 0 : i32
    %c0_i32_0 = arith.constant 0 : i32
    return %arg0, %arg1, %c0_i32 : i32, i32, i32
  }
  func.func @transform_1(%arg0: i32, %arg1: i32) -> (i32, i32, i32) {
    %c0_i32 = arith.constant 0 : i32
    %c0_i32_0 = arith.constant 0 : i32
    return %arg0, %arg1, %c0_i32 : i32, i32, i32
  }
  func.func @transform_2(%arg0: i32, %arg1: i32) -> (i32, i32) {
    %c0_i32 = arith.constant 0 : i32
    %c0_i32_0 = arith.constant 0 : i32
    %c0_i32_1 = arith.constant 0 : i32
    return %c0_i32, %c0_i32_0 : i32, i32
  }
  func.func @transform_3(%arg0: i32, %arg1: i32) -> (i32, i32) {
    %c0_i32 = arith.constant 0 : i32
    %c0_i32_0 = arith.constant 0 : i32
    %c0_i32_1 = arith.constant 0 : i32
    return %c0_i32, %c0_i32_0 : i32, i32
  }
  func.func @transform_4(%arg0: i32, %arg1: i32) -> (i32, i32) {
    %c0_i32 = arith.constant 0 : i32
    %c0_i32_0 = arith.constant 0 : i32
    %c0_i32_1 = arith.constant 0 : i32
    return %c0_i32, %c0_i32_0 : i32, i32
  }
  func.func @transform_5(%arg0: i32, %arg1: i32) -> (i32, i32) {
    %c0_i32 = arith.constant 0 : i32
    %c0_i32_0 = arith.constant 0 : i32
    %c0_i32_1 = arith.constant 0 : i32
    return %c0_i32, %c0_i32_0 : i32, i32
  }
  func.func @transform_6(%arg0: i32, %arg1: i32) -> (i32, i32) {
    %c0_i32 = arith.constant 0 : i32
    %c0_i32_0 = arith.constant 0 : i32
    %c0_i32_1 = arith.constant 0 : i32
    return %c0_i32, %c0_i32_0 : i32, i32
  }
  func.func @transform_7(%arg0: i32, %arg1: i32) -> (i32, i32) {
    %c0_i32 = arith.constant 0 : i32
    %c0_i32_0 = arith.constant 0 : i32
    %c0_i32_1 = arith.constant 0 : i32
    return %c0_i32, %c0_i32_0 : i32, i32
  }
  func.func @transform_8(%arg0: i32, %arg1: i32) -> (i32, i32) {
    %c0_i32 = arith.constant 0 : i32
    %c0_i32_0 = arith.constant 0 : i32
    %c0_i32_1 = arith.constant 0 : i32
    return %c0_i32, %c0_i32_0 : i32, i32
  }
  func.func @transform_9(%arg0: i32, %arg1: i32) -> (i32, i32) {
    %c0_i32 = arith.constant 0 : i32
    %c0_i32_0 = arith.constant 0 : i32
    %c0_i32_1 = arith.constant 0 : i32
    return %c0_i32, %c0_i32_0 : i32, i32
  }
  func.func @transform_10(%arg0: i32, %arg1: i32) -> (i32, i32) {
    %c0_i32 = arith.constant 0 : i32
    %c0_i32_0 = arith.constant 0 : i32
    %c0_i32_1 = arith.constant 0 : i32
    return %c0_i32, %c0_i32_0 : i32, i32
  }
  func.func @transform_11(%arg0: i32, %arg1: i32) -> (i32, i32) {
    %c0_i32 = arith.constant 0 : i32
    %c0_i32_0 = arith.constant 0 : i32
    %c0_i32_1 = arith.constant 0 : i32
    return %c0_i32, %c0_i32_0 : i32, i32
  }
  func.func @transform_12(%arg0: i32, %arg1: i32) -> (i32, i32) {
    %c0_i32 = arith.constant 0 : i32
    %c0_i32_0 = arith.constant 0 : i32
    %c0_i32_1 = arith.constant 0 : i32
    return %c0_i32, %c0_i32_0 : i32, i32
  }
  func.func @transform_13(%arg0: i32, %arg1: i32) -> (i32, i32) {
    %c0_i32 = arith.constant 0 : i32
    %c0_i32_0 = arith.constant 0 : i32
    %c0_i32_1 = arith.constant 0 : i32
    return %c0_i32, %c0_i32_0 : i32, i32
  }
  func.func @transform_14(%arg0: i32, %arg1: i32) -> (i32, i32) {
    %c0_i32 = arith.constant 0 : i32
    %c0_i32_0 = arith.constant 0 : i32
    %c0_i32_1 = arith.constant 0 : i32
    return %c0_i32, %c0_i32_0 : i32, i32
  }
  func.func @transform_15(%arg0: i32, %arg1: i32) -> (i32, i32) {
    %c0_i32 = arith.constant 0 : i32
    %c0_i32_0 = arith.constant 0 : i32
    %c0_i32_1 = arith.constant 0 : i32
    return %c0_i32, %c0_i32_0 : i32, i32
  }
  func.func @transform_16(%arg0: i32, %arg1: i32) -> (i32, i32, i32) {
    %c0_i32 = arith.constant 0 : i32
    %c0_i32_0 = arith.constant 0 : i32
    return %arg0, %arg1, %c0_i32 : i32, i32, i32
  }
}

</mosaic_0001>

<sc_bundles>
// kernel: kernel.10.cloned.1.call-start
scs
__scs_entry_jumppad:
0x0: {  	(pc) =	sbr.rel $0x88, $3  }
0x1: {  	(tag) =	ssettag $0x0;
	lr =	simm.s32 $0x1  }
0x2: {  	[smem:$0x3F96] =	sst lr;
	_ =	strace $0xD0000000  }
0x3: {  	_ = 	snop  }
0x4: {  	_ = 	snop  }
0x5: {  	_ = 	snop  }
0x6: {  	_ = 	snop  }
0x7: {  	_ = 	snop  }
__scs_overlays_trampoline_lowered:
0x8: {  	[smem:$0x3FA5] =	sst s0  }
0x9: {  	[smem:$0x3FA6] =	sst s1  }
0xa: {  	[smem:$0x3FA7] =	sst s2  }
0xb: {  	[smem:$0x3FA8] =	sst s3  }
0xc: {  	[smem:$0x3FA9] =	sst s4  }
0xd: {  	[smem:$0x3FAA] =	sst s5  }
0xe: {  	[smem:$0x3FAB] =	sst s6  }
0xf: {  	[smem:$0x3FAC] =	sst s7  }
0x10: {  	[smem:$0x3FAD] =	sst s8  }
0x11: {  	[smem:$0x3FAE] =	sst s9;
	s0 =	simm.s32 @!p0 $0x0  }
0x12: {  	s1 =	sld [smem:$0x3F94];
	s0 =	simm.s32 @p0 $0x1  }
0x13: {  	[smem:$0x3FAF] =	sst s0;
	s0 =	simm.s32 @!p1 $0x0  }
0x14: {  	s2 =	sld [smem:$0x3F93];
	s0 =	simm.s32 @p1 $0x1  }
0x15: {  	[smem:$0x3FB0] =	sst s0;
	s0 =	simm.s32 @!p2 $0x0  }
0x16: {  	s3 =	sld [smem:$0x3FDB];
	s0 =	simm.s32 @p2 $0x1  }
0x17: {  	s4 =	simm.s32 $0x1BF5;
	[smem:$0x3FB2] =	sst s0  }
0x18: {  	s0 =	sld [smem:$0x3F95];
	_ =	swait.ge [sflag:s4], $0x0  }
0x19: {  	s7 =	sld [smem:$0x3F96]  }
0x1a: {  	s8 =	sadd.s32 $0xFFFFE003, lr  }
0x1b: {  	s9 =	sadd.s32 $0xFFFFFEF7, lr;
	s5 =	simm.s32 $0xFFFFFFFF;
	p2 =	slt.u32 s8, $0xFFFFF086  }
0x1c: {  	p1 =	slt.u32 s9, $0xF7A;
	s5 =	simm.s32 @!p2 $0x0  }
0x1d: {  	s5 =	simm.s32 @p1 $0x1;
	p0 =	seq.s32 s7, s2  }
0x1e: {  	s7 =	smul.u32 @!p0 $0xF7A, s2;
	p2 =	seq.s32 @!p0 s5, $0x0  }
0x1f: {  	s9 =	smul.u32 $0xF7A, s1;
	s8 =	simm.s32 @!p0 $0x1BF5;
	p2 =	por !p2, p0  }
0x20: {  	[sflag:s8] =	ssyncset.s32 @!p0 $0xFFFFF086;
	s6 =	sadd.s32 @!p0 s3, s7;
	s7 =	simm.s32 @!p0 $0x108  }
0x21: {  	s3 =	sadd.s32 s3, s9;
	s6 =	sadd.s32 @!p0 $0x88, s6;
	s7 =	simm.s32 @p2 $0x1082  }
0x22: {  	[simem:s7], [sflag:s8] =	dma.local @!p0 [hbm:s6], $0xF7A  }
0x23: {  	s9 =	sor.u32 $0xD0000000, s2;
	s6 =	simm.s32 $0x108;
	_ =	swait.ge @!p0 [sflag:s8], $0x0  }
0x24: {  	s3 =	sadd.s32 $0x88, s3;
	s6 =	simm.s32 @!p1 $0x1082;
	[sflag:s4] =	ssyncset.s32 $0xFFFFF086  }
0x25: {  	[simem:s6], [sflag:s4] =	dma.local [hbm:s3], $0xF7A  }
0x26: {  	[smem:$0x3F96] =	sst s1;
	(tag) =	ssettag s2;
	_ =	strace s9  }
0x27: {  	s1 =	sld [smem:$0x3FA6]  }
0x28: {  	s2 =	sld [smem:$0x3FA7]  }
0x29: {  	s4 =	sld [smem:$0x3FA9]  }
0x2a: {  	p0 =	seq.s32 s5, $0x0;
	s5 =	sld [smem:$0x3FAA]  }
0x2b: {  	s6 =	sld [smem:$0x3FAB]  }
0x2c: {  	s7 =	sld [smem:$0x3FAC]  }
0x2d: {  	s3 =	simm.s32 $0x108;
	s8 =	sld [smem:$0x3FAD]  }
0x2e: {  	s3 =	simm.s32 @!p0 $0x1082;
	s9 =	sld [smem:$0x3FAE]  }
0x2f: {  	lr =	sadd.s32 s0, s3;
	s0 =	sld [smem:$0x3FA5]  }
0x30: {  	s3 =	sld [smem:$0x3FA8]  }
0x31: {  	[smem:$0x3FB1] =	sst s10  }
0x32: {  	s10 =	sld [smem:$0x3FAF];
	_ =	sdelay $0x3  }
0x33: {  	p0 =	seq.s32 s10, $0x1;
	s10 =	sld [smem:$0x3FB1];
	_ =	sdelay $0x3  }
0x34: {  	[smem:$0x3FB1] =	sst s10  }
0x35: {  	s10 =	sld [smem:$0x3FB0];
	_ =	sdelay $0x3  }
0x36: {  	p1 =	seq.s32 s10, $0x1;
	s10 =	sld [smem:$0x3FB1];
	_ =	sdelay $0x3  }
0x37: {  	[smem:$0x3FB1] =	sst s10  }
0x38: {  	s10 =	sld [smem:$0x3FB2]  }
0x39: {  	_ = 	snop;
	(pc) =	sbr.ind lr, $3  }
0x3a: {  	_ = 	snop  }
0x3b: {  	_ = 	snop  }
0x3c: {  	p2 =	seq.s32 s10, $0x1;
	s10 =	sld [smem:$0x3FB1]  }
0x3d: {  	_ =	shalt  }
0x3e: {  	_ =	shalt  }
0x3f: {  	_ =	shalt  }
0x40: {  	_ =	shalt  }
0x41: {  	_ =	shalt  }
0x42: {  	_ =	shalt  }
0x43: {  	_ =	shalt  }
0x44: {  	_ =	shalt  }
0x45: {  	_ =	shalt  }
0x46: {  	_ =	shalt  }
0x47: {  	_ =	shalt  }
0x48: {  	_ =	shalt  }
0x49: {  	_ =	shalt  }
0x4a: {  	_ =	shalt  }
0x4b: {  	_ =	shalt  }
0x4c: {  	_ =	shalt  }
0x4d: {  	_ =	shalt  }
0x4e: {  	_ =	shalt  }
0x4f: {  	_ =	shalt  }
0x50: {  	_ =	shalt  }
0x51: {  	_ =	shalt  }
0x52: {  	_ =	shalt  }
0x53: {  	_ =	shalt  }
0x54: {  	_ =	shalt  }
0x55: {  	_ =	shalt  }
0x56: {  	_ =	shalt  }
0x57: {  	_ =	shalt  }
0x58: {  	_ =	shalt  }
0x59: {  	_ =	shalt  }
0x5a: {  	_ =	shalt  }
0x5b: {  	_ =	shalt  }
0x5c: {  	_ =	shalt  }
0x5d: {  	_ =	shalt  }
0x5e: {  	_ =	shalt  }
0x5f: {  	_ =	shalt  }
0x60: {  	_ =	shalt  }
0x61: {  	_ =	shalt  }
0x62: {  	_ =	shalt  }
0x63: {  	_ =	shalt  }
0x64: {  	_ =	shalt  }
0x65: {  	_ =	shalt  }
0x66: {  	_ =	shalt  }
0x67: {  	_ =	shalt  }
0x68: {  	_ =	shalt  }
0x69: {  	_ =	shalt  }
0x6a: {  	_ =	shalt  }
0x6b: {  	_ =	shalt  }
0x6c: {  	_ =	shalt  }
0x6d: {  	_ =	shalt  }
0x6e: {  	_ =	shalt  }
0x6f: {  	_ =	shalt  }
0x70: {  	_ =	shalt  }
0x71: {  	_ =	shalt  }
0x72: {  	_ =	shalt  }
0x73: {  	_ =	shalt  }
0x74: {  	_ =	shalt  }
0x75: {  	_ =	shalt  }
0x76: {  	_ =	shalt  }
0x77: {  	_ =	shalt  }
0x78: {  	_ =	shalt  }
0x79: {  	_ =	shalt  }
0x7a: {  	_ =	shalt  }
0x7b: {  	_ =	shalt  }
0x7c: {  	_ =	shalt  }
0x7d: {  	_ =	shalt  }
0x7e: {  	_ =	shalt  }
0x7f: {  	_ =	shalt  }
0x80: {  	_ =	shalt  }
0x81: {  	_ =	shalt  }
0x82: {  	_ =	shalt  }
0x83: {  	_ =	shalt  }
0x84: {  	_ =	shalt  }
0x85: {  	_ =	shalt  }
0x86: {  	_ =	shalt  }
0x87: {  	_ =	shalt  }
.Lfunc_end0:
.L_simem_size_0:
called_computation_lowered:
.L_overlay_start_0:
0x88: {  	s2 =	sld [smem:$0x3FD9]  }
0x89: {  	s3 =	sld [smem:$0x3FFE];
	_ =	sdelay $0x1  }
0x8a: {  	s1 =	srdreg.scid  }
0x8b: {  	s0 =	sand.u32 $0x1, s1  }
0x8c: {  	s14 =	sshll.u32 s0, $0xA;
	s2 =	sadd.s32 s3, s2  }
0x8d: {  	s2 =	sadd.s32 s2, s14  }
0x8e: {  	[smem:$0x3FBD] =	sst s2  }
0x8f: {  	_ = 	snop  }
0x90: {  	s2 =	sld [smem:$0x3FD0];
	_ =	sdelay $0x2  }
0x91: {  	s15 =	simm.s32 $0xA;
	s4 =	simm.s32 $0x10  }
0x92: {  	[smem:s4], [sflag:s15] =	dma.local [hbm:s2], $0x1  }
0x93: {  	_ =	swait.eq [sflag:s15], $0x1  }
0x94: {  	[sflag:s15] =	ssyncset.done $0x0  }
0x95: {  	[sflag:s15] =	ssyncadd.s32 $0xFFFFFFFF  }
0x96: {  	s16 =	sld [smem:$0x11];
	(tm) =	ssettm $0x1  }
0x97: {  	s17 =	sld [smem:$0x3FFB];
	_ =	sdelay $0x3  }
0x98: {  	_ =	strace s17  }
0x99: {  	s3 =	sld [smem:$0x3FFC];
	_ =	sdelay $0x3  }
0x9a: {  	_ =	strace s3  }
0x9b: {  	s3 =	sld [smem:$0x3FFD];
	_ =	sdelay $0x3  }
0x9c: {  	_ =	strace s3  }
0x9d: {  	_ =	strace $0x8FFFFFFF  }
0x9e: {  	s18 =	sld [smem:$0x3FDB];
	_ =	sdelay $0x1  }
0x9f: {  	s19 =	simm.s32 $_scs_section_size  }
0xa0: {  	s5 =	simm.s32 $_size__tile_overlayer_lowered;
	s6 =	simm.s32 $_tile_overlayer_lowered  }
0xa1: {  	s22 =	simm.s32 $0x1BFF;
	s21 =	sshll.u32 s6, $0x1;
	s3 =	sadd.s32 s19, s18  }
0xa2: {  	s7 =	simm.s32 $0x0;
	s20 =	sshll.u32 s5, $0x1;
	s5 =	sadd.s32 s21, s3  }
0xa3: {  	[timem:s7], [sflag:s22] =	dma.local [hbm:s5], s20  }
0xa4: {  	_ =	swait.ge [sflag:s22], s20  }
0xa5: {  	s4 =	ssub.s32 $0x0, s20;
	[sflag:s22] =	ssyncset.done $0x0  }
0xa6: {  	[sflag:s22] =	ssyncadd.s32 s4;
	_ =	sdelay $0x1  }
0xa7: {  	s23 =	simm.s32 $0x1B8B  }
0xa8: {  	_ =	swait.ge [sflag:s23], $0x1  }
0xa9: {  	[sflag:s23] =	ssyncset.done $0x0  }
0xaa: {  	s25 =	simm.s32 $0x1B8E;
	s24 =	sld [smem:$0x3FFE];
	[sflag:s23] =	ssyncadd.s32 $0xFFFFFFFF  }
0xab: {  	s26 =	simm.s32 $execute0_lowered;
	[smem:$0x3FD2] =	sst s25  }
0xac: {  	s5 =	sshll.u32 s26, $0x1;
	_ =	strace $0x80000046;
	[dreg:$0x1] =	wrdreg $0xFFFFFFFF  }
0xad: {  	s28 =	simm.s32 $_size_execute0_lowered;
	s3 =	sadd.s32 s3, s5;
	[dreg:$0x0] =	wrdreg $0x0  }
0xae: {  	s5 =	sshll.u32 s28, $0x1;
	[dreg:$0x2] =	wrdreg s3  }
0xaf: {  	[dreg:$0x3] =	wrdreg s5  }
0xb0: {  	[dreg:$0x4] =	wrdreg $0xC0  }
0xb1: {  	_ =	task [dreg:s7], $0x5FFFF  }
0xb2: {  	[dreg:$0x1] =	wrdreg $0xFFFFFFFF  }
0xb3: {  	[dreg:$0x0] =	wrdreg $0x60  }
0xb4: {  	[dreg:$0x2] =	wrdreg s16  }
0xb5: {  	[dreg:$0x3] =	wrdreg s24  }
0xb6: {  	[dreg:$0x4] =	wrdreg $0x9  }
0xb7: {  	_ =	task.clear_ibuf [dreg:s7], $0x5FFFF;
	_ =	strace $0x90000046  }
0xb8: {  	s29 =	simm.s32 $0x9;
	_ =	strace $0x80000048  }
0xb9: {  	_ =	swait.ge [sflag:s29], $0x1  }
0xba: {  	[sflag:s29] =	ssyncadd.s32 $0xFFFFFFFF  }
0xbb: {  	_ =	strace $0x90000048  }
0xbc: {  	_ =	sfence  }
0xbd: {  	s30 =	sld [smem:$0x0];
	_ =	sdelay $0x2  }
0xbe: {  	s31 =	sshll.u32 s1, $0xD;
	s1 =	sshrl.u32 s1, $0x2  }
0xbf: {  	s3 =	sand.u32 $0x4000, s31;
	s1 =	sadd.s32 s1, s30  }
0xc0: {  	s0 =	sor.u32 s3, s0;
	s1 =	sshll.u32 s1, $0x11  }
0xc1: {  	s0 =	sor.u32 s1, s0  }
0xc2: {  	s0 =	sadd.s32 $0x8F2B, s0  }
0xc3: {  	[sflag:s0] =	ssyncadd.remote.s32 $0x1  }
0xc4: {  	_ =	sfence.sel $0xFFFF  }
0xc5: {  	[dreg:$0x0] =	wrdreg $0xFFFFFFFF;
	(pc) =	sbr.abs _section_cstart, $3  }
0xc6: {  	[dreg:$0x1] =	wrdreg $0xFFFFFFFF  }
0xc7: {  	_ =	task.clear_ibuf [dreg:s7], $0x2FFFF;
	_ =	strace $0x9FFFFFFF  }
0xc8: {  	(tm) =	ssettm $0x7FFFFFFF  }
0xc9: {  	_ =	shalt  }
tec
execute0_lowered:
.L_overlay_start_1:
0x0: {  	(tag) =	ssettag $0x1  }
0x1: {  	s1 =	rddreg [dreg:$0x0]  }
0x2: {  	s4 =	rddreg [dreg:$0x1]  }
0x3: {  	s0 =	rddreg [dreg:$0x2];
	s5 =	srdreg.scid  }
0x4: {  	s3 =	simm.s32 $0x0;
	s2 =	stileid.u32;
	s10 =	simm.s32 $0x0  }
0x5: {  	s5 =	sand.u32 $0x1, s5;
	[smem:$0x7FF] =	sst s3;
	s6 =	sshll.u32 s2, $0xE  }
0x6: {  	s8 =	sshll.u32 s2, $0x11;
	s7 =	sshll.u32 s5, $0xD;
	_ =	strace $0x80000047  }
0x7: {  	s31 =	ssub.s32 $0x2, s5;
	s8 =	sadd.s32 s8, s4;
	s5 =	sshll.u32 s5, $0x10  }
0x8: {  	s6 =	sor.u32 s7, s6;
	s9 =	sshrl.u32 s31, $0x1;
	s5 =	sadd.s32 s5, s8  }
0x9: {  	s8 =	simm.s32 $0x80;
	s6 =	sshrl.u32 s6, $0x3;
	s7 =	ssub.s32 s31, s9  }
0xa: {  	s5 =	sadd.s32 $0x9E00, s5;
	s9 =	simm.s32 $0x1;
	s6 =	sadd.s32 s6, s4  }
0xb: {  	s4 =	smax.u32 s7, $0x1;
	s7 =	simm.s32 $0x2;
	s6 =	sadd.s32 $0x1E00, s6  }
.LBB2_1:
0xc: {  	s11 =	sadd.s32 $0x0, s6  }
0xd: {  	[tilespmem:s3], [sflag:$0x2] =	stream.linear.gather [hbm4b:s11+s3], $0x80, $0x38;
	[tilespmem:$0x2080] =	vst v63  }
0xe: {  	_ =	swait.ge [sflag:s7], $0x80  }
0xf: {  	[sflag:s7] =	ssyncset.done $0x0  }
0x10: {  	[sflag:s7] =	ssyncadd.s32 $0xFFFFFF80  }
0x11: {  	[tilespmem:s8], [sflag:$0x1] =	stream.indirect.gather [hbm4b:s1+s8], $0x40, s3, s8, $0xb8;
	[tilespmem:$0x2080] =	vst v63  }
0x12: {  	_ =	swait.ge [sflag:s9], $0x2000  }
0x13: {  	[sflag:s9] =	ssyncset.done $0x0  }
0x14: {  	[sflag:s9] =	ssyncadd.s32 $0xFFFFE000  }
0x15: {  	[hbm4b:s5+s3] =	stream.linear.scatter [tilespmem:s8], [sflag:$0x2], $0x2000, $0x38;
	[tilespmem:$0x2080] =	vst v63  }
0x16: {  	s12 =	simm.s32 $0x10;
	_ =	swait.ge [sflag:s7], $0x2000  }
0x17: {  	s13 =	simm.s32 $0x20;
	s11 =	sadd.s32 $0x400, s5;
	[sflag:s7] =	ssyncset.done $0x0  }
.LBB2_2:
0x18: {  	s14 =	sadd.s32 s12, s6  }
0x19: {  	[sflag:s7] =	ssyncadd.s32 $0xFFFFE000;
	s12 =	smov.u32 s13;
	s15 =	sadd.s32 $0x10, s13  }
0x1a: {  	[tilespmem:s3], [sflag:$0x2] =	stream.linear.gather [hbm4b:s14+s3], $0x80, $0x38;
	[tilespmem:$0x2080] =	vst v63  }
0x1b: {  	p0 =	sne.s32 s13, $0x3F0;
	_ =	swait.ge [sflag:s7], $0x80  }
0x1c: {  	[sflag:s7] =	ssyncset.done $0x0  }
0x1d: {  	[sflag:s7] =	ssyncadd.s32 $0xFFFFFF80  }
0x1e: {  	[tilespmem:s8], [sflag:$0x1] =	stream.indirect.gather [hbm4b:s1+s8], $0x40, s3, s8, $0xb8;
	[tilespmem:$0x2080] =	vst v63  }
0x1f: {  	_ =	swait.ge [sflag:s9], $0x2000  }
.Ltmp0:
0x20: {  	[sflag:s9] =	ssyncset.done $0x0;
	(pc) =	sbr.rel @p0 .LBB2_2-.Ltmp0, $4  }
0x21: {  	[sflag:s9] =	ssyncadd.s32 $0xFFFFE000  }
0x22: {  	[hbm4b:s11+s3] =	stream.linear.scatter [tilespmem:s8], [sflag:$0x2], $0x2000, $0x38;
	[tilespmem:$0x2080] =	vst v63  }
0x23: {  	_ =	swait.ge [sflag:s7], $0x2000  }
0x24: {  	s13 =	smov.u32 s15;
	s11 =	sadd.s32 $0x400, s11;
	[sflag:s7] =	ssyncset.done $0x0  }
0x25: {  	s12 =	sadd.s32 s12, s6;
	[sflag:s7] =	ssyncadd.s32 $0xFFFFE000  }
0x26: {  	[tilespmem:s3], [sflag:$0x2] =	stream.linear.gather [hbm4b:s12+s3], $0x80, $0x38;
	[tilespmem:$0x2080] =	vst v63  }
0x27: {  	_ =	swait.ge [sflag:s7], $0x80  }
0x28: {  	[sflag:s7] =	ssyncset.done $0x0  }
0x29: {  	[sflag:s7] =	ssyncadd.s32 $0xFFFFFF80  }
0x2a: {  	[tilespmem:s8], [sflag:$0x1] =	stream.indirect.gather [hbm4b:s1+s8], $0x40, s3, s8, $0xb8;
	[tilespmem:$0x2080] =	vst v63  }
0x2b: {  	s10 =	sadd.s32 $0x1, s10;
	_ =	swait.ge [sflag:s9], $0x2000  }
0x2c: {  	p0 =	sne.s32 s10, s4;
	[sflag:s9] =	ssyncset.done $0x0  }
.Ltmp1:
0x2d: {  	[sflag:s9] =	ssyncadd.s32 $0xFFFFE000;
	(pc) =	sbr.rel @p0 .LBB2_1-.Ltmp1, $4  }
0x2e: {  	[hbm4b:s11+s3] =	stream.linear.scatter [tilespmem:s8], [sflag:$0x2], $0x2000, $0x38;
	[tilespmem:$0x2080] =	vst v63  }
0x2f: {  	_ =	swait.ge [sflag:s7], $0x2000  }
0x30: {  	[sflag:s7] =	ssyncset.done $0x0  }
0x31: {  	[sflag:s7] =	ssyncadd.s32 $0xFFFFE000  }
0x32: {  	_ =	sfence.sel $0x180000  }
0x33: {  	[bflag:$0x0] =	sbarrier.arrive $0xFFFF  }
0x34: {  	p0 =	sne.s32 s2, $0x0;
	_ =	strace $0x90000047  }
0x35: {  	s0 =	sadd.s32 @!p0 $0x100000, s0;
	[bflag:$0x2] =	sbarrier.arrive $0xFFFF  }
0x36: {  	[sflag:s0] =	ssyncadd.tile.s32 @!p0 $0x1;
	_ =	shalt  }
.Lfunc_end2:
_tile_overlayer_lowered:
.L_overlay_start_2:
0x37: {  	(tag) =	ssettag $0x2  }
0x38: {  	s0 =	rddreg [dreg:$0x0];
	s2 =	stileid.u32  }
0x39: {  	s1 =	rddreg [dreg:$0x1];
	p0 =	sne.s32 s2, $0x0  }
0x3a: {  	s3 =	rddreg [dreg:$0x2];
	[bflag:$0x3] =	sbarrier.arrive $0xFFFF;
	s2 =	simm.s32 @!p0 $0x1C02  }
0x3b: {  	[timem:s3], [sflag:s2] =	dma.local @!p0 [hbm:s0], s1  }
0x3c: {  	s0 =	simm.s32 @!p0 $0x2  }
0x3d: {  	_ =	swait.ge @!p0 [sflag:s0], s1  }
0x3e: {  	s1 =	ssub.s32 @!p0 $0x0, s1;
	[sflag:s0] =	ssyncset.done @!p0 $0x0  }
0x3f: {  	[sflag:s0] =	ssyncadd.s32 @!p0 s1  }
0x40: {  	[bflag:$0x3] =	sbarrier.arrive $0xFFFF  }
0x41: {  	_ =	shalt  }

</sc_bundles>
